<compile_context>
chip_gen: v7x
topology: tpu7x:2x2x1
jax: 0.10.2.dev20260603
libtpu: 0.0.44.dev20260713+nightly
codegen_flags: <defaults>
</compile_context>

<pallas_src>
import functools

import jax
import jax.numpy as jnp
from jax import lax
from jax.experimental import pallas as pl
from jax.experimental.pallas import tpu as pltpu
from jax.experimental.pallas import tpu_sc as plsc

_N = 10000
_E = 160000
_D = 128
_ED = 16

_NC = 2
_NS = 16
_NW = _NC * _NS
_ACC = 10240
_CHUNK = 128
_ROWS = _E // _CHUNK
_ROWS_PW = 40
_FIRE = 8
_ROWS_PAD = _NW * _ROWS_PW
_DEAD = _N + 16
_ZLEN = _ACC // _NS


def _deg_body(dst_hbm, out_hbm, idx_v, ones_v, zeros_v, acc_shared, sem):
    c = lax.axis_index("c")
    s = lax.axis_index("s")
    wid = c * _NS + s
    for i in range(_CHUNK // 16):
        ones_v[pl.ds(i * 16, 16)] = jnp.ones((16,), jnp.float32)
    for i in range(_ZLEN // 16):
        zeros_v[pl.ds(i * 16, 16)] = jnp.zeros((16,), jnp.float32)
    pltpu.sync_copy(dst_hbm.at[pl.ds(wid * _ROWS_PW, _ROWS_PW)], idx_v)
    pltpu.sync_copy(zeros_v, acc_shared.at[pl.ds(s * _ZLEN, _ZLEN)])
    plsc.subcore_barrier()

    def _block(b, carry):
        copies = [
            pltpu.async_copy(
                ones_v, acc_shared.at[idx_v.at[b * _FIRE + j]], sem, add=True)
            for j in range(_FIRE)
        ]
        for cp in copies:
            cp.wait()
        return carry

    lax.fori_loop(0, _ROWS_PW // _FIRE, _block, 0)
    plsc.subcore_barrier()
    pltpu.sync_copy(acc_shared.at[pl.ds(s * _ZLEN, _ZLEN)],
                    out_hbm.at[pl.ds(c * _ACC + s * _ZLEN, _ZLEN)])


@functools.cache
def _deg_counts_fn():
    return pl.kernel(
        _deg_body,
        out_type=jax.ShapeDtypeStruct((_NC * _ACC,), jnp.float32),
        mesh=plsc.VectorSubcoreMesh(core_axis_name="c", subcore_axis_name="s"),
        scratch_types=[
            pltpu.VMEM((_ROWS_PW, _CHUNK), jnp.int32),
            pltpu.VMEM((_CHUNK,), jnp.float32),
            pltpu.VMEM((_ZLEN,), jnp.float32),
            pltpu.VMEM_SHARED((_ACC,), jnp.float32),
            pltpu.SemaphoreType.DMA,
        ],
    )


_NODE_TILE = 2000
_CONTRACT_T = (((1,), (1,)), ((), ()))


def _node_body(x_ref, deg_ref, watt_ref, wrel_ref, wout_ref, bout_ref,
               wfc_ref, bfc_ref, o_ref, wcomb_ref):
    @pl.when(pl.program_id(0) == 0)
    def _fold():
        kk = watt_ref.shape[0]
        mm = wrel_ref.shape[0]
        wk = watt_ref[0]
        for k in range(1, kk):
            wk = wk + watt_ref[k]
        wm = wrel_ref[0]
        for m in range(1, mm):
            wm = wm + wrel_ref[m]
        c1 = wout_ref[:, :_D]
        c2 = wout_ref[:, _D:]
        wcomb_ref[...] = (
            lax.dot_general(wk, c1, _CONTRACT_T,
                            preferred_element_type=jnp.float32) / kk
            + lax.dot_general(wm, c2, _CONTRACT_T,
                              preferred_element_type=jnp.float32) / mm)

    h = x_ref[...]
    t = jnp.maximum(
        jnp.dot(h, wcomb_ref[...], preferred_element_type=jnp.float32)
        + bout_ref[...], 0.0)
    d = deg_ref[0] + deg_ref[1]
    h2 = jnp.where(d > 0.0, t, h)
    o = jnp.maximum(
        lax.dot_general(h2, wfc_ref[...], _CONTRACT_T,
                        preferred_element_type=jnp.float32)
        + bfc_ref[...], 0.0) + h
    o_ref[...] = o


def _node_call(x, degs, watt, wrel, wout, bout, wfc, bfc):
    grid = (_N // _NODE_TILE,)
    return pl.pallas_call(
        _node_body,
        grid=grid,
        in_specs=[
            pl.BlockSpec((_NODE_TILE, _D), lambda i: (i, 0)),
            pl.BlockSpec((_NC, _NODE_TILE, 1), lambda i: (0, i, 0)),
            pl.BlockSpec(watt.shape, lambda i: (0, 0, 0)),
            pl.BlockSpec(wrel.shape, lambda i: (0, 0, 0)),
            pl.BlockSpec((_D, 2 * _D), lambda i: (0, 0)),
            pl.BlockSpec((1, _D), lambda i: (0, 0)),
            pl.BlockSpec((_D, _D), lambda i: (0, 0)),
            pl.BlockSpec((1, _D), lambda i: (0, 0)),
        ],
        out_specs=pl.BlockSpec((_NODE_TILE, _D), lambda i: (i, 0)),
        out_shape=jax.ShapeDtypeStruct((_N, _D), jnp.float32),
        scratch_shapes=[pltpu.VMEM((_D, _D), jnp.float32)],
    )(x, degs, watt, wrel, wout, bout, wfc, bfc)


_EDGE_TILE_T = 32000


def _edge_body_t(x_ref, w_ref, b_ref, o_ref):
    x = x_ref[...]
    o_ref[...] = jnp.maximum(
        lax.dot_general(w_ref[...], x, (((1,), (0,)), ((), ())),
                        preferred_element_type=jnp.float32)
        + b_ref[...], 0.0) + x


def _edge_call_t(efT, w, b):
    grid = (_E // _EDGE_TILE_T,)
    return pl.pallas_call(
        _edge_body_t,
        grid=grid,
        in_specs=[
            pl.BlockSpec((_ED, _EDGE_TILE_T), lambda i: (0, i)),
            pl.BlockSpec((_ED, _ED), lambda i: (0, 0)),
            pl.BlockSpec((_ED, 1), lambda i: (0, 0)),
        ],
        out_specs=pl.BlockSpec((_ED, _EDGE_TILE_T), lambda i: (0, i)),
        out_shape=jax.ShapeDtypeStruct((_ED, _E), jnp.float32),
    )(efT, w, b)


def kernel(node_features, edge_features, edge_index, node_att_W, rel_att_W,
           rel_att_W1, rel_att_b1, rel_att_W2, rel_att_b2, node_out_W,
           node_out_b, node_fc_W, node_fc_b, edge_fc_W, edge_fc_b):
    dst_pad = jnp.concatenate(
        [edge_index[1],
         jnp.full((_ROWS_PAD * _CHUNK - _E,), _DEAD, jnp.int32)]
    ).reshape(_ROWS_PAD, _CHUNK)
    new_edges = _edge_call_t(edge_features.T, edge_fc_W,
                             edge_fc_b.reshape(_ED, 1)).T
    degs = _deg_counts_fn()(dst_pad).reshape(_NC, _ACC, 1)
    watt = node_att_W.reshape(node_att_W.shape[1], _D, _D)
    wrel = rel_att_W.reshape(rel_att_W.shape[1], _D, _D)
    new_nodes = _node_call(node_features, degs, watt, wrel, node_out_W,
                           node_out_b.reshape(1, _D), node_fc_W,
                           node_fc_b.reshape(1, _D))
    return new_nodes, new_edges

# --- scband reference (transcript-rebuilt; emitter-appended) ---
"""Pipeline reference for scband-layer-rgat-5385888989543 (READ-ONLY COPY).

The authoritative reference and input builder live on the scoring server;
editing this copy changes nothing except your own understanding.
"""

import jax, jax.numpy as jnp
import numpy as np

N = 10000
E = 160000
D = 128
ED = 16
M = 4
K = 4


def setup_inputs(seed: int = 0):
    key = jax.random.key(seed)
    ks = jax.random.split(key, 16)
    inp = {}
    inp["node_features"] = jax.random.normal(ks[0], (N, D), jnp.float32)
    inp["edge_features"] = jax.random.normal(ks[1], (E, ED), jnp.float32)
    inp["edge_index"] = jax.random.randint(ks[2], (2, E), 0, N, jnp.int32)
    inp["node_att_W"] = jax.random.normal(ks[3], (1, K, 1, D, D), jnp.float32) * 0.05
    inp["rel_att_W"] = jax.random.normal(ks[4], (1, M, 1, D, D), jnp.float32) * 0.05
    inp["rel_att_W1"] = jax.random.normal(ks[5], (M, ED, D), jnp.float32) * 0.05
    inp["rel_att_b1"] = jax.random.normal(ks[6], (M, 1, D), jnp.float32) * 0.05
    inp["rel_att_W2"] = jax.random.normal(ks[7], (M, D, 1), jnp.float32) * 0.05
    inp["rel_att_b2"] = jax.random.normal(ks[8], (M, 1, 1), jnp.float32) * 0.05
    inp["node_out_W"] = jax.random.normal(ks[9], (D, 2 * D), jnp.float32) * 0.05
    inp["node_out_b"] = jax.random.normal(ks[10], (D,), jnp.float32) * 0.05
    inp["node_fc_W"] = jax.random.normal(ks[11], (D, D), jnp.float32) * 0.05
    inp["node_fc_b"] = jax.random.normal(ks[12], (D,), jnp.float32) * 0.05
    inp["edge_fc_W"] = jax.random.normal(ks[13], (ED, ED), jnp.float32) * 0.05
    inp["edge_fc_b"] = jax.random.normal(ks[14], (ED,), jnp.float32) * 0.05
    return inp


def _forward(node_features, edge_features, edge_index, node_att_W, rel_att_W, rel_att_W1, rel_att_b1, rel_att_W2, rel_att_b2, node_out_W, node_out_b, node_fc_W, node_fc_b, edge_fc_W, edge_fc_b):
    src = edge_index[0]
    dst = edge_index[1]
    h_src = node_features[src]
    h_dst = node_features[dst]
    # attention_mech: a = diag(src_h @ dst_h.T) -> per-edge dot product
    a = jnp.sum(h_src * h_dst, axis=1)  # [E]
    # g = sigmoid(relu(e_h @ W1 + b1) @ W2 + b2), broadcast over M relations
    t = jax.nn.relu(jnp.einsum('ef,mfd->med', edge_features, rel_att_W1) + rel_att_b1)  # [M,E,D]
    gval = jax.nn.sigmoid(jnp.einsum('med,mdo->meo', t, rel_att_W2) + rel_att_b2)  # [M,E,1]
    gval = jnp.transpose(gval, (1, 0, 2))[:, :, 0]  # [E,M]
    # alpha = softmax over incoming edges per dst node (mailbox dim)
    a_max = jax.ops.segment_max(a, dst, num_segments=N)
    a_max = jax.lax.stop_gradient(jnp.where(jnp.isfinite(a_max), a_max, 0.0))
    a_exp = jnp.exp(a - a_max[dst])
    a_sum = jax.ops.segment_sum(a_exp, dst, num_segments=N)
    alpha = a_exp / a_sum[dst]  # [E]
    # beta = softmax over incoming edges per dst node, per relation m
    g_max = jax.ops.segment_max(gval, dst, num_segments=N)
    g_max = jax.lax.stop_gradient(jnp.where(jnp.isfinite(g_max), g_max, 0.0))
    g_exp = jnp.exp(gval - g_max[dst])
    g_sum = jax.ops.segment_sum(g_exp, dst, num_segments=N)
    beta = g_exp / g_sum[dst]  # [E,M]
    # message h_j = edges.dst['h'] (faithful to original)
    h_j = h_dst
    # h_att = sum_deg sum_K alpha * (h_j @ node_att_W[k]) / K
    Wk = node_att_W[0, :, 0]  # [K,D,D]
    msg_att = jnp.einsum('ed,kdf->ef', h_j, Wk)  # summed over K
    h_att = jax.ops.segment_sum(alpha[:, None] * msg_att, dst, num_segments=N) / K
    # h_rel = sum_deg sum_M beta * (h_j @ rel_att_W[m]) / M
    Wm = rel_att_W[0, :, 0]  # [M,D,D]
    msg_rel = jnp.einsum('ed,mdf->emf', h_j, Wm)  # [E,M,D]
    msg_rel = jnp.sum(beta[:, :, None] * msg_rel, axis=1)  # [E,D]
    h_rel = jax.ops.segment_sum(msg_rel, dst, num_segments=N) / M
    h_cat = jnp.concatenate([h_att, h_rel], axis=1)
    h = jax.nn.relu(h_cat @ node_out_W.T + node_out_b)
    # DGL keeps original 'h' for zero in-degree nodes
    deg = jax.ops.segment_sum(jnp.ones((E,), jnp.float32), dst, num_segments=N)
    h = jnp.where((deg > 0)[:, None], h, node_features)
    new_nodes = jax.nn.relu(h @ node_fc_W.T + node_fc_b) + node_features
    new_edges = jax.nn.relu(edge_features @ edge_fc_W.T + edge_fc_b) + edge_features
    return new_nodes, new_edges


def reference(node_features, edge_features, edge_index, node_att_W, rel_att_W, rel_att_W1, rel_att_b1, rel_att_W2, rel_att_b2, node_out_W, node_out_b, node_fc_W, node_fc_b, edge_fc_W, edge_fc_b):
    return _forward(node_features, edge_features, edge_index, node_att_W, rel_att_W, rel_att_W1, rel_att_b1, rel_att_W2, rel_att_b2, node_out_W, node_out_b, node_fc_W, node_fc_b, edge_fc_W, edge_fc_b)

if __name__ == "__main__":
    import jax
    _d = setup_inputs()
    print(jax.jit(kernel)(*tuple(_d.values())))

</pallas_src>

<mosaic_0001>
#map = affine_map<(d0, d1) -> (0, 0)>
#map1 = affine_map<(d0, d1) -> (0)>
module attributes {stable_mosaic.version = 14 : i64} {
  func.func @_deg_body(%arg0: i32, %arg1: i32, %arg2: memref<1280x128xi32, #tpu.memory_space<hbm>>, %arg3: memref<20480xf32, #tpu.memory_space<hbm>>, %arg4: memref<40x128xi32, #tpu.memory_space<vmem>>, %arg5: memref<128xf32, #tpu.memory_space<vmem>>, %arg6: memref<640xf32, #tpu.memory_space<vmem>>, %arg7: memref<10240xf32, #tpu.memory_space<vmem_shared>>, %arg8: memref<!tpu.dma_semaphore, #tpu.memory_space<semaphore_mem>>) attributes {dimension_semantics = [#tpu.dimension_semantics<core_parallel>, #tpu.dimension_semantics<subcore_parallel>], iteration_bounds = array<i64: 2, 16>, scalar_prefetch = 0 : i64, scratch_operands = 5 : i64, tpu.core_type = #tpu.core_type<sc_vector_subcore>, window_params = [{transform_indices = #map}, {transform_indices = #map1}]} {
    %mul3A = arith.constant 16 : i32
    %mul3A_0 = arith.muli %arg0, %mul3A : i32
    %add3A = arith.addi %mul3A_0, %arg1 : i32
    %broadcast_in_dim3A = arith.constant 1.000000e+00 : f32
    %broadcast_in_dim3A_1 = vector.broadcast %broadcast_in_dim3A : f32 to vector<16xf32>
    %swap3A = arith.constant 0 : index
    %swap3A_2 = tpu.vector_load %arg5[%swap3A] {strides = array<i32>} : memref<128xf32, #tpu.memory_space<vmem>>, vector<16xf32>,
    %swap3A_3 = vector.shape_cast %swap3A_2 : vector<16xf32> to vector<16xf32>
    %swap3A_4 = vector.shape_cast %broadcast_in_dim3A_1 : vector<16xf32> to vector<16xf32>
    tpu.vector_store %arg5[%swap3A], %swap3A_4 {strides = array<i32>} : memref<128xf32, #tpu.memory_space<vmem>>, vector<16xf32>,
    %broadcast_in_dim3A_5 = arith.constant 1.000000e+00 : f32
    %broadcast_in_dim3A_6 = vector.broadcast %broadcast_in_dim3A_5 : f32 to vector<16xf32>
    %swap3A_7 = arith.constant 16 : index
    %swap3A_8 = tpu.vector_load %arg5[%swap3A_7] {strides = array<i32>} : memref<128xf32, #tpu.memory_space<vmem>>, vector<16xf32>,
    %swap3A_9 = vector.shape_cast %swap3A_8 : vector<16xf32> to vector<16xf32>
    %swap3A_10 = vector.shape_cast %broadcast_in_dim3A_6 : vector<16xf32> to vector<16xf32>
    tpu.vector_store %arg5[%swap3A_7], %swap3A_10 {strides = array<i32>} : memref<128xf32, #tpu.memory_space<vmem>>, vector<16xf32>,
    %broadcast_in_dim3A_11 = arith.constant 1.000000e+00 : f32
    %broadcast_in_dim3A_12 = vector.broadcast %broadcast_in_dim3A_11 : f32 to vector<16xf32>
    %swap3A_13 = arith.constant 32 : index
    %swap3A_14 = tpu.vector_load %arg5[%swap3A_13] {strides = array<i32>} : memref<128xf32, #tpu.memory_space<vmem>>, vector<16xf32>,
    %swap3A_15 = vector.shape_cast %swap3A_14 : vector<16xf32> to vector<16xf32>
    %swap3A_16 = vector.shape_cast %broadcast_in_dim3A_12 : vector<16xf32> to vector<16xf32>
    tpu.vector_store %arg5[%swap3A_13], %swap3A_16 {strides = array<i32>} : memref<128xf32, #tpu.memory_space<vmem>>, vector<16xf32>,
    %broadcast_in_dim3A_17 = arith.constant 1.000000e+00 : f32
    %broadcast_in_dim3A_18 = vector.broadcast %broadcast_in_dim3A_17 : f32 to vector<16xf32>
    %swap3A_19 = arith.constant 48 : index
    %swap3A_20 = tpu.vector_load %arg5[%swap3A_19] {strides = array<i32>} : memref<128xf32, #tpu.memory_space<vmem>>, vector<16xf32>,
    %swap3A_21 = vector.shape_cast %swap3A_20 : vector<16xf32> to vector<16xf32>
    %swap3A_22 = vector.shape_cast %broadcast_in_dim3A_18 : vector<16xf32> to vector<16xf32>
    tpu.vector_store %arg5[%swap3A_19], %swap3A_22 {strides = array<i32>} : memref<128xf32, #tpu.memory_space<vmem>>, vector<16xf32>,
    %broadcast_in_dim3A_23 = arith.constant 1.000000e+00 : f32
    %broadcast_in_dim3A_24 = vector.broadcast %broadcast_in_dim3A_23 : f32 to vector<16xf32>
    %swap3A_25 = arith.constant 64 : index
    %swap3A_26 = tpu.vector_load %arg5[%swap3A_25] {strides = array<i32>} : memref<128xf32, #tpu.memory_space<vmem>>, vector<16xf32>,
    %swap3A_27 = vector.shape_cast %swap3A_26 : vector<16xf32> to vector<16xf32>
    %swap3A_28 = vector.shape_cast %broadcast_in_dim3A_24 : vector<16xf32> to vector<16xf32>
    tpu.vector_store %arg5[%swap3A_25], %swap3A_28 {strides = array<i32>} : memref<128xf32, #tpu.memory_space<vmem>>, vector<16xf32>,
    %broadcast_in_dim3A_29 = arith.constant 1.000000e+00 : f32
    %broadcast_in_dim3A_30 = vector.broadcast %broadcast_in_dim3A_29 : f32 to vector<16xf32>
    %swap3A_31 = arith.constant 80 : index
    %swap3A_32 = tpu.vector_load %arg5[%swap3A_31] {strides = array<i32>} : memref<128xf32, #tpu.memory_space<vmem>>, vector<16xf32>,
    %swap3A_33 = vector.shape_cast %swap3A_32 : vector<16xf32> to vector<16xf32>
    %swap3A_34 = vector.shape_cast %broadcast_in_dim3A_30 : vector<16xf32> to vector<16xf32>
    tpu.vector_store %arg5[%swap3A_31], %swap3A_34 {strides = array<i32>} : memref<128xf32, #tpu.memory_space<vmem>>, vector<16xf32>,
    %broadcast_in_dim3A_35 = arith.constant 1.000000e+00 : f32
    %broadcast_in_dim3A_36 = vector.broadcast %broadcast_in_dim3A_35 : f32 to vector<16xf32>
    %swap3A_37 = arith.constant 96 : index
    %swap3A_38 = tpu.vector_load %arg5[%swap3A_37] {strides = array<i32>} : memref<128xf32, #tpu.memory_space<vmem>>, vector<16xf32>,
    %swap3A_39 = vector.shape_cast %swap3A_38 : vector<16xf32> to vector<16xf32>
    %swap3A_40 = vector.shape_cast %broadcast_in_dim3A_36 : vector<16xf32> to vector<16xf32>
    tpu.vector_store %arg5[%swap3A_37], %swap3A_40 {strides = array<i32>} : memref<128xf32, #tpu.memory_space<vmem>>, vector<16xf32>,
    %broadcast_in_dim3A_41 = arith.constant 1.000000e+00 : f32
    %broadcast_in_dim3A_42 = vector.broadcast %broadcast_in_dim3A_41 : f32 to vector<16xf32>
    %swap3A_43 = arith.constant 112 : index
    %swap3A_44 = tpu.vector_load %arg5[%swap3A_43] {strides = array<i32>} : memref<128xf32, #tpu.memory_space<vmem>>, vector<16xf32>,
    %swap3A_45 = vector.shape_cast %swap3A_44 : vector<16xf32> to vector<16xf32>
    %swap3A_46 = vector.shape_cast %broadcast_in_dim3A_42 : vector<16xf32> to vector<16xf32>
    tpu.vector_store %arg5[%swap3A_43], %swap3A_46 {strides = array<i32>} : memref<128xf32, #tpu.memory_space<vmem>>, vector<16xf32>,
    %broadcast_in_dim3A_47 = arith.constant 0.000000e+00 : f32
    %broadcast_in_dim3A_48 = vector.broadcast %broadcast_in_dim3A_47 : f32 to vector<16xf32>
    %swap3A_49 = arith.constant 0 : index
    %swap3A_50 = tpu.vector_load %arg6[%swap3A_49] {strides = array<i32>} : memref<640xf32, #tpu.memory_space<vmem>>, vector<16xf32>,
    %swap3A_51 = vector.shape_cast %swap3A_50 : vector<16xf32> to vector<16xf32>
    %swap3A_52 = vector.shape_cast %broadcast_in_dim3A_48 : vector<16xf32> to vector<16xf32>
    tpu.vector_store %arg6[%swap3A_49], %swap3A_52 {strides = array<i32>} : memref<640xf32, #tpu.memory_space<vmem>>, vector<16xf32>,
    %broadcast_in_dim3A_53 = arith.constant 0.000000e+00 : f32
    %broadcast_in_dim3A_54 = vector.broadcast %broadcast_in_dim3A_53 : f32 to vector<16xf32>
    %swap3A_55 = arith.constant 16 : index
    %swap3A_56 = tpu.vector_load %arg6[%swap3A_55] {strides = array<i32>} : memref<640xf32, #tpu.memory_space<vmem>>, vector<16xf32>,
    %swap3A_57 = vector.shape_cast %swap3A_56 : vector<16xf32> to vector<16xf32>
    %swap3A_58 = vector.shape_cast %broadcast_in_dim3A_54 : vector<16xf32> to vector<16xf32>
    tpu.vector_store %arg6[%swap3A_55], %swap3A_58 {strides = array<i32>} : memref<640xf32, #tpu.memory_space<vmem>>, vector<16xf32>,
    %broadcast_in_dim3A_59 = arith.constant 0.000000e+00 : f32
    %broadcast_in_dim3A_60 = vector.broadcast %broadcast_in_dim3A_59 : f32 to vector<16xf32>
    %swap3A_61 = arith.constant 32 : index
    %swap3A_62 = tpu.vector_load %arg6[%swap3A_61] {strides = array<i32>} : memref<640xf32, #tpu.memory_space<vmem>>, vector<16xf32>,
    %swap3A_63 = vector.shape_cast %swap3A_62 : vector<16xf32> to vector<16xf32>
    %swap3A_64 = vector.shape_cast %broadcast_in_dim3A_60 : vector<16xf32> to vector<16xf32>
    tpu.vector_store %arg6[%swap3A_61], %swap3A_64 {strides = array<i32>} : memref<640xf32, #tpu.memory_space<vmem>>, vector<16xf32>,
    %broadcast_in_dim3A_65 = arith.constant 0.000000e+00 : f32
    %broadcast_in_dim3A_66 = vector.broadcast %broadcast_in_dim3A_65 : f32 to vector<16xf32>
    %swap3A_67 = arith.constant 48 : index
    %swap3A_68 = tpu.vector_load %arg6[%swap3A_67] {strides = array<i32>} : memref<640xf32, #tpu.memory_space<vmem>>, vector<16xf32>,
    %swap3A_69 = vector.shape_cast %swap3A_68 : vector<16xf32> to vector<16xf32>
    %swap3A_70 = vector.shape_cast %broadcast_in_dim3A_66 : vector<16xf32> to vector<16xf32>
    tpu.vector_store %arg6[%swap3A_67], %swap3A_70 {strides = array<i32>} : memref<640xf32, #tpu.memory_space<vmem>>, vector<16xf32>,
    %broadcast_in_dim3A_71 = arith.constant 0.000000e+00 : f32
    %broadcast_in_dim3A_72 = vector.broadcast %broadcast_in_dim3A_71 : f32 to vector<16xf32>
    %swap3A_73 = arith.constant 64 : index
    %swap3A_74 = tpu.vector_load %arg6[%swap3A_73] {strides = array<i32>} : memref<640xf32, #tpu.memory_space<vmem>>, vector<16xf32>,
    %swap3A_75 = vector.shape_cast %swap3A_74 : vector<16xf32> to vector<16xf32>
    %swap3A_76 = vector.shape_cast %broadcast_in_dim3A_72 : vector<16xf32> to vector<16xf32>
    tpu.vector_store %arg6[%swap3A_73], %swap3A_76 {strides = array<i32>} : memref<640xf32, #tpu.memory_space<vmem>>, vector<16xf32>,
    %broadcast_in_dim3A_77 = arith.constant 0.000000e+00 : f32
    %broadcast_in_dim3A_78 = vector.broadcast %broadcast_in_dim3A_77 : f32 to vector<16xf32>
    %swap3A_79 = arith.constant 80 : index
    %swap3A_80 = tpu.vector_load %arg6[%swap3A_79] {strides = array<i32>} : memref<640xf32, #tpu.memory_space<vmem>>, vector<16xf32>,
    %swap3A_81 = vector.shape_cast %swap3A_80 : vector<16xf32> to vector<16xf32>
    %swap3A_82 = vector.shape_cast %broadcast_in_dim3A_78 : vector<16xf32> to vector<16xf32>
    tpu.vector_store %arg6[%swap3A_79], %swap3A_82 {strides = array<i32>} : memref<640xf32, #tpu.memory_space<vmem>>, vector<16xf32>,
    %broadcast_in_dim3A_83 = arith.constant 0.000000e+00 : f32
    %broadcast_in_dim3A_84 = vector.broadcast %broadcast_in_dim3A_83 : f32 to vector<16xf32>
    %swap3A_85 = arith.constant 96 : index
    %swap3A_86 = tpu.vector_load %arg6[%swap3A_85] {strides = array<i32>} : memref<640xf32, #tpu.memory_space<vmem>>, vector<16xf32>,
    %swap3A_87 = vector.shape_cast %swap3A_86 : vector<16xf32> to vector<16xf32>
    %swap3A_88 = vector.shape_cast %broadcast_in_dim3A_84 : vector<16xf32> to vector<16xf32>
    tpu.vector_store %arg6[%swap3A_85], %swap3A_88 {strides = array<i32>} : memref<640xf32, #tpu.memory_space<vmem>>, vector<16xf32>,
    %broadcast_in_dim3A_89 = arith.constant 0.000000e+00 : f32
    %broadcast_in_dim3A_90 = vector.broadcast %broadcast_in_dim3A_89 : f32 to vector<16xf32>
    %swap3A_91 = arith.constant 112 : index
    %swap3A_92 = tpu.vector_load %arg6[%swap3A_91] {strides = array<i32>} : memref<640xf32, #tpu.memory_space<vmem>>, vector<16xf32>,
    %swap3A_93 = vector.shape_cast %swap3A_92 : vector<16xf32> to vector<16xf32>
    %swap3A_94 = vector.shape_cast %broadcast_in_dim3A_90 : vector<16xf32> to vector<16xf32>
    tpu.vector_store %arg6[%swap3A_91], %swap3A_94 {strides = array<i32>} : memref<640xf32, #tpu.memory_space<vmem>>, vector<16xf32>,
    %broadcast_in_dim3A_95 = arith.constant 0.000000e+00 : f32
    %broadcast_in_dim3A_96 = vector.broadcast %broadcast_in_dim3A_95 : f32 to vector<16xf32>
    %swap3A_97 = arith.constant 128 : index
    %swap3A_98 = tpu.vector_load %arg6[%swap3A_97] {strides = array<i32>} : memref<640xf32, #tpu.memory_space<vmem>>, vector<16xf32>,
    %swap3A_99 = vector.shape_cast %swap3A_98 : vector<16xf32> to vector<16xf32>
    %swap3A_100 = vector.shape_cast %broadcast_in_dim3A_96 : vector<16xf32> to vector<16xf32>
    tpu.vector_store %arg6[%swap3A_97], %swap3A_100 {strides = array<i32>} : memref<640xf32, #tpu.memory_space<vmem>>, vector<16xf32>,
    %broadcast_in_dim3A_101 = arith.constant 0.000000e+00 : f32
    %broadcast_in_dim3A_102 = vector.broadcast %broadcast_in_dim3A_101 : f32 to vector<16xf32>
    %swap3A_103 = arith.constant 144 : index
    %swap3A_104 = tpu.vector_load %arg6[%swap3A_103] {strides = array<i32>} : memref<640xf32, #tpu.memory_space<vmem>>, vector<16xf32>,
    %swap3A_105 = vector.shape_cast %swap3A_104 : vector<16xf32> to vector<16xf32>
    %swap3A_106 = vector.shape_cast %broadcast_in_dim3A_102 : vector<16xf32> to vector<16xf32>
    tpu.vector_store %arg6[%swap3A_103], %swap3A_106 {strides = array<i32>} : memref<640xf32, #tpu.memory_space<vmem>>, vector<16xf32>,
    %broadcast_in_dim3A_107 = arith.constant 0.000000e+00 : f32
    %broadcast_in_dim3A_108 = vector.broadcast %broadcast_in_dim3A_107 : f32 to vector<16xf32>
    %swap3A_109 = arith.constant 160 : index
    %swap3A_110 = tpu.vector_load %arg6[%swap3A_109] {strides = array<i32>} : memref<640xf32, #tpu.memory_space<vmem>>, vector<16xf32>,
    %swap3A_111 = vector.shape_cast %swap3A_110 : vector<16xf32> to vector<16xf32>
    %swap3A_112 = vector.shape_cast %broadcast_in_dim3A_108 : vector<16xf32> to vector<16xf32>
    tpu.vector_store %arg6[%swap3A_109], %swap3A_112 {strides = array<i32>} : memref<640xf32, #tpu.memory_space<vmem>>, vector<16xf32>,
    %broadcast_in_dim3A_113 = arith.constant 0.000000e+00 : f32
    %broadcast_in_dim3A_114 = vector.broadcast %broadcast_in_dim3A_113 : f32 to vector<16xf32>
    %swap3A_115 = arith.constant 176 : index
    %swap3A_116 = tpu.vector_load %arg6[%swap3A_115] {strides = array<i32>} : memref<640xf32, #tpu.memory_space<vmem>>, vector<16xf32>,
    %swap3A_117 = vector.shape_cast %swap3A_116 : vector<16xf32> to vector<16xf32>
    %swap3A_118 = vector.shape_cast %broadcast_in_dim3A_114 : vector<16xf32> to vector<16xf32>
    tpu.vector_store %arg6[%swap3A_115], %swap3A_118 {strides = array<i32>} : memref<640xf32, #tpu.memory_space<vmem>>, vector<16xf32>,
    %broadcast_in_dim3A_119 = arith.constant 0.000000e+00 : f32
    %broadcast_in_dim3A_120 = vector.broadcast %broadcast_in_dim3A_119 : f32 to vector<16xf32>
    %swap3A_121 = arith.constant 192 : index
    %swap3A_122 = tpu.vector_load %arg6[%swap3A_121] {strides = array<i32>} : memref<640xf32, #tpu.memory_space<vmem>>, vector<16xf32>,
    %swap3A_123 = vector.shape_cast %swap3A_122 : vector<16xf32> to vector<16xf32>
    %swap3A_124 = vector.shape_cast %broadcast_in_dim3A_120 : vector<16xf32> to vector<16xf32>
    tpu.vector_store %arg6[%swap3A_121], %swap3A_124 {strides = array<i32>} : memref<640xf32, #tpu.memory_space<vmem>>, vector<16xf32>,
    %broadcast_in_dim3A_125 = arith.constant 0.000000e+00 : f32
    %broadcast_in_dim3A_126 = vector.broadcast %broadcast_in_dim3A_125 : f32 to vector<16xf32>
    %swap3A_127 = arith.constant 208 : index
    %swap3A_128 = tpu.vector_load %arg6[%swap3A_127] {strides = array<i32>} : memref<640xf32, #tpu.memory_space<vmem>>, vector<16xf32>,
    %swap3A_129 = vector.shape_cast %swap3A_128 : vector<16xf32> to vector<16xf32>
    %swap3A_130 = vector.shape_cast %broadcast_in_dim3A_126 : vector<16xf32> to vector<16xf32>
    tpu.vector_store %arg6[%swap3A_127], %swap3A_130 {strides = array<i32>} : memref<640xf32, #tpu.memory_space<vmem>>, vector<16xf32>,
    %broadcast_in_dim3A_131 = arith.constant 0.000000e+00 : f32
    %broadcast_in_dim3A_132 = vector.broadcast %broadcast_in_dim3A_131 : f32 to vector<16xf32>
    %swap3A_133 = arith.constant 224 : index
    %swap3A_134 = tpu.vector_load %arg6[%swap3A_133] {strides = array<i32>} : memref<640xf32, #tpu.memory_space<vmem>>, vector<16xf32>,
    %swap3A_135 = vector.shape_cast %swap3A_134 : vector<16xf32> to vector<16xf32>
    %swap3A_136 = vector.shape_cast %broadcast_in_dim3A_132 : vector<16xf32> to vector<16xf32>
    tpu.vector_store %arg6[%swap3A_133], %swap3A_136 {strides = array<i32>} : memref<640xf32, #tpu.memory_space<vmem>>, vector<16xf32>,
    %broadcast_in_dim3A_137 = arith.constant 0.000000e+00 : f32
    %broadcast_in_dim3A_138 = vector.broadcast %broadcast_in_dim3A_137 : f32 to vector<16xf32>
    %swap3A_139 = arith.constant 240 : index
    %swap3A_140 = tpu.vector_load %arg6[%swap3A_139] {strides = array<i32>} : memref<640xf32, #tpu.memory_space<vmem>>, vector<16xf32>,
    %swap3A_141 = vector.shape_cast %swap3A_140 : vector<16xf32> to vector<16xf32>
    %swap3A_142 = vector.shape_cast %broadcast_in_dim3A_138 : vector<16xf32> to vector<16xf32>
    tpu.vector_store %arg6[%swap3A_139], %swap3A_142 {strides = array<i32>} : memref<640xf32, #tpu.memory_space<vmem>>, vector<16xf32>,
    %broadcast_in_dim3A_143 = arith.constant 0.000000e+00 : f32
    %broadcast_in_dim3A_144 = vector.broadcast %broadcast_in_dim3A_143 : f32 to vector<16xf32>
    %swap3A_145 = arith.constant 256 : index
    %swap3A_146 = tpu.vector_load %arg6[%swap3A_145] {strides = array<i32>} : memref<640xf32, #tpu.memory_space<vmem>>, vector<16xf32>,
    %swap3A_147 = vector.shape_cast %swap3A_146 : vector<16xf32> to vector<16xf32>
    %swap3A_148 = vector.shape_cast %broadcast_in_dim3A_144 : vector<16xf32> to vector<16xf32>
    tpu.vector_store %arg6[%swap3A_145], %swap3A_148 {strides = array<i32>} : memref<640xf32, #tpu.memory_space<vmem>>, vector<16xf32>,
    %broadcast_in_dim3A_149 = arith.constant 0.000000e+00 : f32
    %broadcast_in_dim3A_150 = vector.broadcast %broadcast_in_dim3A_149 : f32 to vector<16xf32>
    %swap3A_151 = arith.constant 272 : index
    %swap3A_152 = tpu.vector_load %arg6[%swap3A_151] {strides = array<i32>} : memref<640xf32, #tpu.memory_space<vmem>>, vector<16xf32>,
    %swap3A_153 = vector.shape_cast %swap3A_152 : vector<16xf32> to vector<16xf32>
    %swap3A_154 = vector.shape_cast %broadcast_in_dim3A_150 : vector<16xf32> to vector<16xf32>
    tpu.vector_store %arg6[%swap3A_151], %swap3A_154 {strides = array<i32>} : memref<640xf32, #tpu.memory_space<vmem>>, vector<16xf32>,
    %broadcast_in_dim3A_155 = arith.constant 0.000000e+00 : f32
    %broadcast_in_dim3A_156 = vector.broadcast %broadcast_in_dim3A_155 : f32 to vector<16xf32>
    %swap3A_157 = arith.constant 288 : index
    %swap3A_158 = tpu.vector_load %arg6[%swap3A_157] {strides = array<i32>} : memref<640xf32, #tpu.memory_space<vmem>>, vector<16xf32>,
    %swap3A_159 = vector.shape_cast %swap3A_158 : vector<16xf32> to vector<16xf32>
    %swap3A_160 = vector.shape_cast %broadcast_in_dim3A_156 : vector<16xf32> to vector<16xf32>
    tpu.vector_store %arg6[%swap3A_157], %swap3A_160 {strides = array<i32>} : memref<640xf32, #tpu.memory_space<vmem>>, vector<16xf32>,
    %broadcast_in_dim3A_161 = arith.constant 0.000000e+00 : f32
    %broadcast_in_dim3A_162 = vector.broadcast %broadcast_in_dim3A_161 : f32 to vector<16xf32>
    %swap3A_163 = arith.constant 304 : index
    %swap3A_164 = tpu.vector_load %arg6[%swap3A_163] {strides = array<i32>} : memref<640xf32, #tpu.memory_space<vmem>>, vector<16xf32>,
    %swap3A_165 = vector.shape_cast %swap3A_164 : vector<16xf32> to vector<16xf32>
    %swap3A_166 = vector.shape_cast %broadcast_in_dim3A_162 : vector<16xf32> to vector<16xf32>
    tpu.vector_store %arg6[%swap3A_163], %swap3A_166 {strides = array<i32>} : memref<640xf32, #tpu.memory_space<vmem>>, vector<16xf32>,
    %broadcast_in_dim3A_167 = arith.constant 0.000000e+00 : f32
    %broadcast_in_dim3A_168 = vector.broadcast %broadcast_in_dim3A_167 : f32 to vector<16xf32>
    %swap3A_169 = arith.constant 320 : index
    %swap3A_170 = tpu.vector_load %arg6[%swap3A_169] {strides = array<i32>} : memref<640xf32, #tpu.memory_space<vmem>>, vector<16xf32>,
    %swap3A_171 = vector.shape_cast %swap3A_170 : vector<16xf32> to vector<16xf32>
    %swap3A_172 = vector.shape_cast %broadcast_in_dim3A_168 : vector<16xf32> to vector<16xf32>
    tpu.vector_store %arg6[%swap3A_169], %swap3A_172 {strides = array<i32>} : memref<640xf32, #tpu.memory_space<vmem>>, vector<16xf32>,
    %broadcast_in_dim3A_173 = arith.constant 0.000000e+00 : f32
    %broadcast_in_dim3A_174 = vector.broadcast %broadcast_in_dim3A_173 : f32 to vector<16xf32>
    %swap3A_175 = arith.constant 336 : index
    %swap3A_176 = tpu.vector_load %arg6[%swap3A_175] {strides = array<i32>} : memref<640xf32, #tpu.memory_space<vmem>>, vector<16xf32>,
    %swap3A_177 = vector.shape_cast %swap3A_176 : vector<16xf32> to vector<16xf32>
    %swap3A_178 = vector.shape_cast %broadcast_in_dim3A_174 : vector<16xf32> to vector<16xf32>
    tpu.vector_store %arg6[%swap3A_175], %swap3A_178 {strides = array<i32>} : memref<640xf32, #tpu.memory_space<vmem>>, vector<16xf32>,
    %broadcast_in_dim3A_179 = arith.constant 0.000000e+00 : f32
    %broadcast_in_dim3A_180 = vector.broadcast %broadcast_in_dim3A_179 : f32 to vector<16xf32>
    %swap3A_181 = arith.constant 352 : index
    %swap3A_182 = tpu.vector_load %arg6[%swap3A_181] {strides = array<i32>} : memref<640xf32, #tpu.memory_space<vmem>>, vector<16xf32>,
    %swap3A_183 = vector.shape_cast %swap3A_182 : vector<16xf32> to vector<16xf32>
    %swap3A_184 = vector.shape_cast %broadcast_in_dim3A_180 : vector<16xf32> to vector<16xf32>
    tpu.vector_store %arg6[%swap3A_181], %swap3A_184 {strides = array<i32>} : memref<640xf32, #tpu.memory_space<vmem>>, vector<16xf32>,
    %broadcast_in_dim3A_185 = arith.constant 0.000000e+00 : f32
    %broadcast_in_dim3A_186 = vector.broadcast %broadcast_in_dim3A_185 : f32 to vector<16xf32>
    %swap3A_187 = arith.constant 368 : index
    %swap3A_188 = tpu.vector_load %arg6[%swap3A_187] {strides = array<i32>} : memref<640xf32, #tpu.memory_space<vmem>>, vector<16xf32>,
    %swap3A_189 = vector.shape_cast %swap3A_188 : vector<16xf32> to vector<16xf32>
    %swap3A_190 = vector.shape_cast %broadcast_in_dim3A_186 : vector<16xf32> to vector<16xf32>
    tpu.vector_store %arg6[%swap3A_187], %swap3A_190 {strides = array<i32>} : memref<640xf32, #tpu.memory_space<vmem>>, vector<16xf32>,
    %broadcast_in_dim3A_191 = arith.constant 0.000000e+00 : f32
    %broadcast_in_dim3A_192 = vector.broadcast %broadcast_in_dim3A_191 : f32 to vector<16xf32>
    %swap3A_193 = arith.constant 384 : index
    %swap3A_194 = tpu.vector_load %arg6[%swap3A_193] {strides = array<i32>} : memref<640xf32, #tpu.memory_space<vmem>>, vector<16xf32>,
    %swap3A_195 = vector.shape_cast %swap3A_194 : vector<16xf32> to vector<16xf32>
    %swap3A_196 = vector.shape_cast %broadcast_in_dim3A_192 : vector<16xf32> to vector<16xf32>
    tpu.vector_store %arg6[%swap3A_193], %swap3A_196 {strides = array<i32>} : memref<640xf32, #tpu.memory_space<vmem>>, vector<16xf32>,
    %broadcast_in_dim3A_197 = arith.constant 0.000000e+00 : f32
    %broadcast_in_dim3A_198 = vector.broadcast %broadcast_in_dim3A_197 : f32 to vector<16xf32>
    %swap3A_199 = arith.constant 400 : index
    %swap3A_200 = tpu.vector_load %arg6[%swap3A_199] {strides = array<i32>} : memref<640xf32, #tpu.memory_space<vmem>>, vector<16xf32>,
    %swap3A_201 = vector.shape_cast %swap3A_200 : vector<16xf32> to vector<16xf32>
    %swap3A_202 = vector.shape_cast %broadcast_in_dim3A_198 : vector<16xf32> to vector<16xf32>
    tpu.vector_store %arg6[%swap3A_199], %swap3A_202 {strides = array<i32>} : memref<640xf32, #tpu.memory_space<vmem>>, vector<16xf32>,
    %broadcast_in_dim3A_203 = arith.constant 0.000000e+00 : f32
    %broadcast_in_dim3A_204 = vector.broadcast %broadcast_in_dim3A_203 : f32 to vector<16xf32>
    %swap3A_205 = arith.constant 416 : index
    %swap3A_206 = tpu.vector_load %arg6[%swap3A_205] {strides = array<i32>} : memref<640xf32, #tpu.memory_space<vmem>>, vector<16xf32>,
    %swap3A_207 = vector.shape_cast %swap3A_206 : vector<16xf32> to vector<16xf32>
    %swap3A_208 = vector.shape_cast %broadcast_in_dim3A_204 : vector<16xf32> to vector<16xf32>
    tpu.vector_store %arg6[%swap3A_205], %swap3A_208 {strides = array<i32>} : memref<640xf32, #tpu.memory_space<vmem>>, vector<16xf32>,
    %broadcast_in_dim3A_209 = arith.constant 0.000000e+00 : f32
    %broadcast_in_dim3A_210 = vector.broadcast %broadcast_in_dim3A_209 : f32 to vector<16xf32>
    %swap3A_211 = arith.constant 432 : index
    %swap3A_212 = tpu.vector_load %arg6[%swap3A_211] {strides = array<i32>} : memref<640xf32, #tpu.memory_space<vmem>>, vector<16xf32>,
    %swap3A_213 = vector.shape_cast %swap3A_212 : vector<16xf32> to vector<16xf32>
    %swap3A_214 = vector.shape_cast %broadcast_in_dim3A_210 : vector<16xf32> to vector<16xf32>
    tpu.vector_store %arg6[%swap3A_211], %swap3A_214 {strides = array<i32>} : memref<640xf32, #tpu.memory_space<vmem>>, vector<16xf32>,
    %broadcast_in_dim3A_215 = arith.constant 0.000000e+00 : f32
    %broadcast_in_dim3A_216 = vector.broadcast %broadcast_in_dim3A_215 : f32 to vector<16xf32>
    %swap3A_217 = arith.constant 448 : index
    %swap3A_218 = tpu.vector_load %arg6[%swap3A_217] {strides = array<i32>} : memref<640xf32, #tpu.memory_space<vmem>>, vector<16xf32>,
    %swap3A_219 = vector.shape_cast %swap3A_218 : vector<16xf32> to vector<16xf32>
    %swap3A_220 = vector.shape_cast %broadcast_in_dim3A_216 : vector<16xf32> to vector<16xf32>
    tpu.vector_store %arg6[%swap3A_217], %swap3A_220 {strides = array<i32>} : memref<640xf32, #tpu.memory_space<vmem>>, vector<16xf32>,
    %broadcast_in_dim3A_221 = arith.constant 0.000000e+00 : f32
    %broadcast_in_dim3A_222 = vector.broadcast %broadcast_in_dim3A_221 : f32 to vector<16xf32>
    %swap3A_223 = arith.constant 464 : index
    %swap3A_224 = tpu.vector_load %arg6[%swap3A_223] {strides = array<i32>} : memref<640xf32, #tpu.memory_space<vmem>>, vector<16xf32>,
    %swap3A_225 = vector.shape_cast %swap3A_224 : vector<16xf32> to vector<16xf32>
    %swap3A_226 = vector.shape_cast %broadcast_in_dim3A_222 : vector<16xf32> to vector<16xf32>
    tpu.vector_store %arg6[%swap3A_223], %swap3A_226 {strides = array<i32>} : memref<640xf32, #tpu.memory_space<vmem>>, vector<16xf32>,
    %broadcast_in_dim3A_227 = arith.constant 0.000000e+00 : f32
    %broadcast_in_dim3A_228 = vector.broadcast %broadcast_in_dim3A_227 : f32 to vector<16xf32>
    %swap3A_229 = arith.constant 480 : index
    %swap3A_230 = tpu.vector_load %arg6[%swap3A_229] {strides = array<i32>} : memref<640xf32, #tpu.memory_space<vmem>>, vector<16xf32>,
    %swap3A_231 = vector.shape_cast %swap3A_230 : vector<16xf32> to vector<16xf32>
    %swap3A_232 = vector.shape_cast %broadcast_in_dim3A_228 : vector<16xf32> to vector<16xf32>
    tpu.vector_store %arg6[%swap3A_229], %swap3A_232 {strides = array<i32>} : memref<640xf32, #tpu.memory_space<vmem>>, vector<16xf32>,
    %broadcast_in_dim3A_233 = arith.constant 0.000000e+00 : f32
    %broadcast_in_dim3A_234 = vector.broadcast %broadcast_in_dim3A_233 : f32 to vector<16xf32>
    %swap3A_235 = arith.constant 496 : index
    %swap3A_236 = tpu.vector_load %arg6[%swap3A_235] {strides = array<i32>} : memref<640xf32, #tpu.memory_space<vmem>>, vector<16xf32>,
    %swap3A_237 = vector.shape_cast %swap3A_236 : vector<16xf32> to vector<16xf32>
    %swap3A_238 = vector.shape_cast %broadcast_in_dim3A_234 : vector<16xf32> to vector<16xf32>
    tpu.vector_store %arg6[%swap3A_235], %swap3A_238 {strides = array<i32>} : memref<640xf32, #tpu.memory_space<vmem>>, vector<16xf32>,
    %broadcast_in_dim3A_239 = arith.constant 0.000000e+00 : f32
    %broadcast_in_dim3A_240 = vector.broadcast %broadcast_in_dim3A_239 : f32 to vector<16xf32>
    %swap3A_241 = arith.constant 512 : index
    %swap3A_242 = tpu.vector_load %arg6[%swap3A_241] {strides = array<i32>} : memref<640xf32, #tpu.memory_space<vmem>>, vector<16xf32>,
    %swap3A_243 = vector.shape_cast %swap3A_242 : vector<16xf32> to vector<16xf32>
    %swap3A_244 = vector.shape_cast %broadcast_in_dim3A_240 : vector<16xf32> to vector<16xf32>
    tpu.vector_store %arg6[%swap3A_241], %swap3A_244 {strides = array<i32>} : memref<640xf32, #tpu.memory_space<vmem>>, vector<16xf32>,
    %broadcast_in_dim3A_245 = arith.constant 0.000000e+00 : f32
    %broadcast_in_dim3A_246 = vector.broadcast %broadcast_in_dim3A_245 : f32 to vector<16xf32>
    %swap3A_247 = arith.constant 528 : index
    %swap3A_248 = tpu.vector_load %arg6[%swap3A_247] {strides = array<i32>} : memref<640xf32, #tpu.memory_space<vmem>>, vector<16xf32>,
    %swap3A_249 = vector.shape_cast %swap3A_248 : vector<16xf32> to vector<16xf32>
    %swap3A_250 = vector.shape_cast %broadcast_in_dim3A_246 : vector<16xf32> to vector<16xf32>
    tpu.vector_store %arg6[%swap3A_247], %swap3A_250 {strides = array<i32>} : memref<640xf32, #tpu.memory_space<vmem>>, vector<16xf32>,
    %broadcast_in_dim3A_251 = arith.constant 0.000000e+00 : f32
    %broadcast_in_dim3A_252 = vector.broadcast %broadcast_in_dim3A_251 : f32 to vector<16xf32>
    %swap3A_253 = arith.constant 544 : index
    %swap3A_254 = tpu.vector_load %arg6[%swap3A_253] {strides = array<i32>} : memref<640xf32, #tpu.memory_space<vmem>>, vector<16xf32>,
    %swap3A_255 = vector.shape_cast %swap3A_254 : vector<16xf32> to vector<16xf32>
    %swap3A_256 = vector.shape_cast %broadcast_in_dim3A_252 : vector<16xf32> to vector<16xf32>
    tpu.vector_store %arg6[%swap3A_253], %swap3A_256 {strides = array<i32>} : memref<640xf32, #tpu.memory_space<vmem>>, vector<16xf32>,
    %broadcast_in_dim3A_257 = arith.constant 0.000000e+00 : f32
    %broadcast_in_dim3A_258 = vector.broadcast %broadcast_in_dim3A_257 : f32 to vector<16xf32>
    %swap3A_259 = arith.constant 560 : index
    %swap3A_260 = tpu.vector_load %arg6[%swap3A_259] {strides = array<i32>} : memref<640xf32, #tpu.memory_space<vmem>>, vector<16xf32>,
    %swap3A_261 = vector.shape_cast %swap3A_260 : vector<16xf32> to vector<16xf32>
    %swap3A_262 = vector.shape_cast %broadcast_in_dim3A_258 : vector<16xf32> to vector<16xf32>
    tpu.vector_store %arg6[%swap3A_259], %swap3A_262 {strides = array<i32>} : memref<640xf32, #tpu.memory_space<vmem>>, vector<16xf32>,
    %broadcast_in_dim3A_263 = arith.constant 0.000000e+00 : f32
    %broadcast_in_dim3A_264 = vector.broadcast %broadcast_in_dim3A_263 : f32 to vector<16xf32>
    %swap3A_265 = arith.constant 576 : index
    %swap3A_266 = tpu.vector_load %arg6[%swap3A_265] {strides = array<i32>} : memref<640xf32, #tpu.memory_space<vmem>>, vector<16xf32>,
    %swap3A_267 = vector.shape_cast %swap3A_266 : vector<16xf32> to vector<16xf32>
    %swap3A_268 = vector.shape_cast %broadcast_in_dim3A_264 : vector<16xf32> to vector<16xf32>
    tpu.vector_store %arg6[%swap3A_265], %swap3A_268 {strides = array<i32>} : memref<640xf32, #tpu.memory_space<vmem>>, vector<16xf32>,
    %broadcast_in_dim3A_269 = arith.constant 0.000000e+00 : f32
    %broadcast_in_dim3A_270 = vector.broadcast %broadcast_in_dim3A_269 : f32 to vector<16xf32>
    %swap3A_271 = arith.constant 592 : index
    %swap3A_272 = tpu.vector_load %arg6[%swap3A_271] {strides = array<i32>} : memref<640xf32, #tpu.memory_space<vmem>>, vector<16xf32>,
    %swap3A_273 = vector.shape_cast %swap3A_272 : vector<16xf32> to vector<16xf32>
    %swap3A_274 = vector.shape_cast %broadcast_in_dim3A_270 : vector<16xf32> to vector<16xf32>
    tpu.vector_store %arg6[%swap3A_271], %swap3A_274 {strides = array<i32>} : memref<640xf32, #tpu.memory_space<vmem>>, vector<16xf32>,
    %broadcast_in_dim3A_275 = arith.constant 0.000000e+00 : f32
    %broadcast_in_dim3A_276 = vector.broadcast %broadcast_in_dim3A_275 : f32 to vector<16xf32>
    %swap3A_277 = arith.constant 608 : index
    %swap3A_278 = tpu.vector_load %arg6[%swap3A_277] {strides = array<i32>} : memref<640xf32, #tpu.memory_space<vmem>>, vector<16xf32>,
    %swap3A_279 = vector.shape_cast %swap3A_278 : vector<16xf32> to vector<16xf32>
    %swap3A_280 = vector.shape_cast %broadcast_in_dim3A_276 : vector<16xf32> to vector<16xf32>
    tpu.vector_store %arg6[%swap3A_277], %swap3A_280 {strides = array<i32>} : memref<640xf32, #tpu.memory_space<vmem>>, vector<16xf32>,
    %broadcast_in_dim3A_281 = arith.constant 0.000000e+00 : f32
    %broadcast_in_dim3A_282 = vector.broadcast %broadcast_in_dim3A_281 : f32 to vector<16xf32>
    %swap3A_283 = arith.constant 624 : index
    %swap3A_284 = tpu.vector_load %arg6[%swap3A_283] {strides = array<i32>} : memref<640xf32, #tpu.memory_space<vmem>>, vector<16xf32>,
    %swap3A_285 = vector.shape_cast %swap3A_284 : vector<16xf32> to vector<16xf32>
    %swap3A_286 = vector.shape_cast %broadcast_in_dim3A_282 : vector<16xf32> to vector<16xf32>
    tpu.vector_store %arg6[%swap3A_283], %swap3A_286 {strides = array<i32>} : memref<640xf32, #tpu.memory_space<vmem>>, vector<16xf32>,
    %mul3A_287 = arith.constant 40 : i32
    %mul3A_288 = arith.muli %add3A, %mul3A_287 : i32
    "tpu.region"() ({
      %run_scoped3A = tpu.sem_alloc : memref<!tpu.dma_semaphore, #tpu.memory_space<semaphore_mem>>
      %dma_start3A = arith.constant 0 : i32
      %dma_start3A_304 = tpu.memref_slice %arg2[%mul3A_288, %dma_start3A] : memref<1280x128xi32, #tpu.memory_space<hbm>> -> memref<40x128xi32, #tpu.memory_space<hbm>>
      %dma_start3A_305 = arith.constant 0 : i32
      %dma_start3A_306 = tpu.memref_slice %arg2[%mul3A_288, %dma_start3A_305] : memref<1280x128xi32, #tpu.memory_space<hbm>> -> memref<40x128xi32, #tpu.memory_space<hbm>>
      tpu.enqueue_dma source(%dma_start3A_306 : memref<40x128xi32, #tpu.memory_space<hbm>>) target(%arg4 : memref<40x128xi32, #tpu.memory_space<vmem>>) target_semaphore(%run_scoped3A : memref<!tpu.dma_semaphore, #tpu.memory_space<semaphore_mem>>)
      %dma_wait3A = arith.constant 0 : i32
      %dma_wait3A_307 = tpu.memref_slice %arg2[%mul3A_288, %dma_wait3A] : memref<1280x128xi32, #tpu.memory_space<hbm>> -> memref<40x128xi32, #tpu.memory_space<hbm>>
      %dma_wait3A_308 = arith.constant 0 : i32
      %dma_wait3A_309 = tpu.memref_slice %arg2[%mul3A_288, %dma_wait3A_308] : memref<1280x128xi32, #tpu.memory_space<hbm>> -> memref<40x128xi32, #tpu.memory_space<hbm>>
      tpu.wait_dma2 semaphore(%run_scoped3A : memref<!tpu.dma_semaphore, #tpu.memory_space<semaphore_mem>>) src(%dma_wait3A_309 : memref<40x128xi32, #tpu.memory_space<hbm>>) dst(%arg4 : memref<40x128xi32, #tpu.memory_space<vmem>>)
      tpu.yield
    }) : () -> ()
    %mul3A_289 = arith.constant 640 : i32
    %mul3A_290 = arith.muli %arg1, %mul3A_289 : i32
    "tpu.region"() ({
      %run_scoped3A = tpu.sem_alloc : memref<!tpu.dma_semaphore, #tpu.memory_space<semaphore_mem>>
      %dma_start3A = tpu.memref_slice %arg7[%mul3A_290] : memref<10240xf32, #tpu.memory_space<vmem_shared>> -> memref<640xf32, #tpu.memory_space<vmem_shared>>
      %dma_start3A_304 = tpu.memref_slice %arg7[%mul3A_290] : memref<10240xf32, #tpu.memory_space<vmem_shared>> -> memref<640xf32, #tpu.memory_space<vmem_shared>>
      tpu.enqueue_dma source(%arg6 : memref<640xf32, #tpu.memory_space<vmem>>) target(%dma_start3A_304 : memref<640xf32, #tpu.memory_space<vmem_shared>>) target_semaphore(%run_scoped3A : memref<!tpu.dma_semaphore, #tpu.memory_space<semaphore_mem>>)
      %dma_wait3A = tpu.memref_slice %arg7[%mul3A_290] : memref<10240xf32, #tpu.memory_space<vmem_shared>> -> memref<640xf32, #tpu.memory_space<vmem_shared>>
      %dma_wait3A_305 = tpu.memref_slice %arg7[%mul3A_290] : memref<10240xf32, #tpu.memory_space<vmem_shared>> -> memref<640xf32, #tpu.memory_space<vmem_shared>>
      tpu.wait_dma2 semaphore(%run_scoped3A : memref<!tpu.dma_semaphore, #tpu.memory_space<semaphore_mem>>) src(%arg6 : memref<640xf32, #tpu.memory_space<vmem>>) dst(%dma_wait3A_305 : memref<640xf32, #tpu.memory_space<vmem_shared>>)
      tpu.yield
    }) : () -> ()
    %barrier3A = arith.constant 0 : index
    tpu.barrier barrier_id(%barrier3A)
    %scan3A = arith.constant 0 : i32
    %scan3A_291 = arith.constant 0 : i32
    %scan3A_292 = arith.constant 5 : i32
    %scan3A_293 = arith.addi %scan3A_291, %scan3A_292 : i32
    %scan3A_294 = arith.constant 1 : i32
    scf.for %scan3A_304 = %scan3A_291 to %scan3A_293 step %scan3A_294  : i32 {
      %mul3A_305 = arith.constant 8 : i32
      %mul3A_306 = arith.muli %scan3A_304, %mul3A_305 : i32
      %add3A_307 = arith.constant 0 : i32
      %add3A_308 = arith.addi %mul3A_306, %add3A_307 : i32
      %dma_start3A = arith.constant 0 : i32
      %dma_start3A_309 = tpu.memref_slice %arg4[%add3A_308, %dma_start3A] : memref<40x128xi32, #tpu.memory_space<vmem>> -> memref<1x128xi32, #tpu.memory_space<vmem>>
      %dma_start3A_310 = tpu.memref_squeeze %dma_start3A_309 : memref<1x128xi32, #tpu.memory_space<vmem>> -> memref<128xi32, #tpu.memory_space<vmem>>
      %dma_start3A_311 = arith.constant 0 : i32
      %dma_start3A_312 = tpu.memref_slice %arg7[%dma_start3A_311] : memref<10240xf32, #tpu.memory_space<vmem_shared>> -> memref<10240xf32, #tpu.memory_space<vmem_shared>>
      tpu.enqueue_indirect_dma source(%arg5 : memref<128xf32, #tpu.memory_space<vmem>>) target(%dma_start3A_312 : memref<10240xf32, #tpu.memory_space<vmem_shared>>) offsets(%dma_start3A_310 : memref<128xi32, #tpu.memory_space<vmem>>) semaphore(%arg8 : memref<!tpu.dma_semaphore, #tpu.memory_space<semaphore_mem>>) {add = true}
      %mul3A_313 = arith.constant 8 : i32
      %mul3A_314 = arith.muli %scan3A_304, %mul3A_313 : i32
      %add3A_315 = arith.constant 1 : i32
      %add3A_316 = arith.addi %mul3A_314, %add3A_315 : i32
      %dma_start3A_317 = arith.constant 0 : i32
      %dma_start3A_318 = tpu.memref_slice %arg4[%add3A_316, %dma_start3A_317] : memref<40x128xi32, #tpu.memory_space<vmem>> -> memref<1x128xi32, #tpu.memory_space<vmem>>
      %dma_start3A_319 = tpu.memref_squeeze %dma_start3A_318 : memref<1x128xi32, #tpu.memory_space<vmem>> -> memref<128xi32, #tpu.memory_space<vmem>>
      %dma_start3A_320 = arith.constant 0 : i32
      %dma_start3A_321 = tpu.memref_slice %arg7[%dma_start3A_320] : memref<10240xf32, #tpu.memory_space<vmem_shared>> -> memref<10240xf32, #tpu.memory_space<vmem_shared>>
      tpu.enqueue_indirect_dma source(%arg5 : memref<128xf32, #tpu.memory_space<vmem>>) target(%dma_start3A_321 : memref<10240xf32, #tpu.memory_space<vmem_shared>>) offsets(%dma_start3A_319 : memref<128xi32, #tpu.memory_space<vmem>>) semaphore(%arg8 : memref<!tpu.dma_semaphore, #tpu.memory_space<semaphore_mem>>) {add = true}
      %mul3A_322 = arith.constant 8 : i32
      %mul3A_323 = arith.muli %scan3A_304, %mul3A_322 : i32
      %add3A_324 = arith.constant 2 : i32
      %add3A_325 = arith.addi %mul3A_323, %add3A_324 : i32
      %dma_start3A_326 = arith.constant 0 : i32
      %dma_start3A_327 = tpu.memref_slice %arg4[%add3A_325, %dma_start3A_326] : memref<40x128xi32, #tpu.memory_space<vmem>> -> memref<1x128xi32, #tpu.memory_space<vmem>>
      %dma_start3A_328 = tpu.memref_squeeze %dma_start3A_327 : memref<1x128xi32, #tpu.memory_space<vmem>> -> memref<128xi32, #tpu.memory_space<vmem>>
      %dma_start3A_329 = arith.constant 0 : i32
      %dma_start3A_330 = tpu.memref_slice %arg7[%dma_start3A_329] : memref<10240xf32, #tpu.memory_space<vmem_shared>> -> memref<10240xf32, #tpu.memory_space<vmem_shared>>
      tpu.enqueue_indirect_dma source(%arg5 : memref<128xf32, #tpu.memory_space<vmem>>) target(%dma_start3A_330 : memref<10240xf32, #tpu.memory_space<vmem_shared>>) offsets(%dma_start3A_328 : memref<128xi32, #tpu.memory_space<vmem>>) semaphore(%arg8 : memref<!tpu.dma_semaphore, #tpu.memory_space<semaphore_mem>>) {add = true}
      %mul3A_331 = arith.constant 8 : i32
      %mul3A_332 = arith.muli %scan3A_304, %mul3A_331 : i32
      %add3A_333 = arith.constant 3 : i32
      %add3A_334 = arith.addi %mul3A_332, %add3A_333 : i32
      %dma_start3A_335 = arith.constant 0 : i32
      %dma_start3A_336 = tpu.memref_slice %arg4[%add3A_334, %dma_start3A_335] : memref<40x128xi32, #tpu.memory_space<vmem>> -> memref<1x128xi32, #tpu.memory_space<vmem>>
      %dma_start3A_337 = tpu.memref_squeeze %dma_start3A_336 : memref<1x128xi32, #tpu.memory_space<vmem>> -> memref<128xi32, #tpu.memory_space<vmem>>
      %dma_start3A_338 = arith.constant 0 : i32
      %dma_start3A_339 = tpu.memref_slice %arg7[%dma_start3A_338] : memref<10240xf32, #tpu.memory_space<vmem_shared>> -> memref<10240xf32, #tpu.memory_space<vmem_shared>>
      tpu.enqueue_indirect_dma source(%arg5 : memref<128xf32, #tpu.memory_space<vmem>>) target(%dma_start3A_339 : memref<10240xf32, #tpu.memory_space<vmem_shared>>) offsets(%dma_start3A_337 : memref<128xi32, #tpu.memory_space<vmem>>) semaphore(%arg8 : memref<!tpu.dma_semaphore, #tpu.memory_space<semaphore_mem>>) {add = true}
      %mul3A_340 = arith.constant 8 : i32
      %mul3A_341 = arith.muli %scan3A_304, %mul3A_340 : i32
      %add3A_342 = arith.constant 4 : i32
      %add3A_343 = arith.addi %mul3A_341, %add3A_342 : i32
      %dma_start3A_344 = arith.constant 0 : i32
      %dma_start3A_345 = tpu.memref_slice %arg4[%add3A_343, %dma_start3A_344] : memref<40x128xi32, #tpu.memory_space<vmem>> -> memref<1x128xi32, #tpu.memory_space<vmem>>
      %dma_start3A_346 = tpu.memref_squeeze %dma_start3A_345 : memref<1x128xi32, #tpu.memory_space<vmem>> -> memref<128xi32, #tpu.memory_space<vmem>>
      %dma_start3A_347 = arith.constant 0 : i32
      %dma_start3A_348 = tpu.memref_slice %arg7[%dma_start3A_347] : memref<10240xf32, #tpu.memory_space<vmem_shared>> -> memref<10240xf32, #tpu.memory_space<vmem_shared>>
      tpu.enqueue_indirect_dma source(%arg5 : memref<128xf32, #tpu.memory_space<vmem>>) target(%dma_start3A_348 : memref<10240xf32, #tpu.memory_space<vmem_shared>>) offsets(%dma_start3A_346 : memref<128xi32, #tpu.memory_space<vmem>>) semaphore(%arg8 : memref<!tpu.dma_semaphore, #tpu.memory_space<semaphore_mem>>) {add = true}
      %mul3A_349 = arith.constant 8 : i32
      %mul3A_350 = arith.muli %scan3A_304, %mul3A_349 : i32
      %add3A_351 = arith.constant 5 : i32
      %add3A_352 = arith.addi %mul3A_350, %add3A_351 : i32
      %dma_start3A_353 = arith.constant 0 : i32
      %dma_start3A_354 = tpu.memref_slice %arg4[%add3A_352, %dma_start3A_353] : memref<40x128xi32, #tpu.memory_space<vmem>> -> memref<1x128xi32, #tpu.memory_space<vmem>>
      %dma_start3A_355 = tpu.memref_squeeze %dma_start3A_354 : memref<1x128xi32, #tpu.memory_space<vmem>> -> memref<128xi32, #tpu.memory_space<vmem>>
      %dma_start3A_356 = arith.constant 0 : i32
      %dma_start3A_357 = tpu.memref_slice %arg7[%dma_start3A_356] : memref<10240xf32, #tpu.memory_space<vmem_shared>> -> memref<10240xf32, #tpu.memory_space<vmem_shared>>
      tpu.enqueue_indirect_dma source(%arg5 : memref<128xf32, #tpu.memory_space<vmem>>) target(%dma_start3A_357 : memref<10240xf32, #tpu.memory_space<vmem_shared>>) offsets(%dma_start3A_355 : memref<128xi32, #tpu.memory_space<vmem>>) semaphore(%arg8 : memref<!tpu.dma_semaphore, #tpu.memory_space<semaphore_mem>>) {add = true}
      %mul3A_358 = arith.constant 8 : i32
      %mul3A_359 = arith.muli %scan3A_304, %mul3A_358 : i32
      %add3A_360 = arith.constant 6 : i32
      %add3A_361 = arith.addi %mul3A_359, %add3A_360 : i32
      %dma_start3A_362 = arith.constant 0 : i32
      %dma_start3A_363 = tpu.memref_slice %arg4[%add3A_361, %dma_start3A_362] : memref<40x128xi32, #tpu.memory_space<vmem>> -> memref<1x128xi32, #tpu.memory_space<vmem>>
      %dma_start3A_364 = tpu.memref_squeeze %dma_start3A_363 : memref<1x128xi32, #tpu.memory_space<vmem>> -> memref<128xi32, #tpu.memory_space<vmem>>
      %dma_start3A_365 = arith.constant 0 : i32
      %dma_start3A_366 = tpu.memref_slice %arg7[%dma_start3A_365] : memref<10240xf32, #tpu.memory_space<vmem_shared>> -> memref<10240xf32, #tpu.memory_space<vmem_shared>>
      tpu.enqueue_indirect_dma source(%arg5 : memref<128xf32, #tpu.memory_space<vmem>>) target(%dma_start3A_366 : memref<10240xf32, #tpu.memory_space<vmem_shared>>) offsets(%dma_start3A_364 : memref<128xi32, #tpu.memory_space<vmem>>) semaphore(%arg8 : memref<!tpu.dma_semaphore, #tpu.memory_space<semaphore_mem>>) {add = true}
      %mul3A_367 = arith.constant 8 : i32
      %mul3A_368 = arith.muli %scan3A_304, %mul3A_367 : i32
      %add3A_369 = arith.constant 7 : i32
      %add3A_370 = arith.addi %mul3A_368, %add3A_369 : i32
      %dma_start3A_371 = arith.constant 0 : i32
      %dma_start3A_372 = tpu.memref_slice %arg4[%add3A_370, %dma_start3A_371] : memref<40x128xi32, #tpu.memory_space<vmem>> -> memref<1x128xi32, #tpu.memory_space<vmem>>
      %dma_start3A_373 = tpu.memref_squeeze %dma_start3A_372 : memref<1x128xi32, #tpu.memory_space<vmem>> -> memref<128xi32, #tpu.memory_space<vmem>>
      %dma_start3A_374 = arith.constant 0 : i32
      %dma_start3A_375 = tpu.memref_slice %arg7[%dma_start3A_374] : memref<10240xf32, #tpu.memory_space<vmem_shared>> -> memref<10240xf32, #tpu.memory_space<vmem_shared>>
      tpu.enqueue_indirect_dma source(%arg5 : memref<128xf32, #tpu.memory_space<vmem>>) target(%dma_start3A_375 : memref<10240xf32, #tpu.memory_space<vmem_shared>>) offsets(%dma_start3A_373 : memref<128xi32, #tpu.memory_space<vmem>>) semaphore(%arg8 : memref<!tpu.dma_semaphore, #tpu.memory_space<semaphore_mem>>) {add = true}
      %dma_wait3A = arith.constant 0 : i32
      %dma_wait3A_376 = tpu.memref_slice %arg4[%add3A_308, %dma_wait3A] : memref<40x128xi32, #tpu.memory_space<vmem>> -> memref<1x128xi32, #tpu.memory_space<vmem>>
      %dma_wait3A_377 = tpu.memref_squeeze %dma_wait3A_376 : memref<1x128xi32, #tpu.memory_space<vmem>> -> memref<128xi32, #tpu.memory_space<vmem>>
      %dma_wait3A_378 = arith.constant 0 : i32
      %dma_wait3A_379 = tpu.memref_slice %arg7[%dma_wait3A_378] : memref<10240xf32, #tpu.memory_space<vmem_shared>> -> memref<10240xf32, #tpu.memory_space<vmem_shared>>
      tpu.wait_indirect_dma semaphore(%arg8 : memref<!tpu.dma_semaphore, #tpu.memory_space<semaphore_mem>>) src(%arg5 : memref<128xf32, #tpu.memory_space<vmem>>) dst(%dma_wait3A_379 : memref<10240xf32, #tpu.memory_space<vmem_shared>>)
      %dma_wait3A_380 = arith.constant 0 : i32
      %dma_wait3A_381 = tpu.memref_slice %arg4[%add3A_316, %dma_wait3A_380] : memref<40x128xi32, #tpu.memory_space<vmem>> -> memref<1x128xi32, #tpu.memory_space<vmem>>
      %dma_wait3A_382 = tpu.memref_squeeze %dma_wait3A_381 : memref<1x128xi32, #tpu.memory_space<vmem>> -> memref<128xi32, #tpu.memory_space<vmem>>
      %dma_wait3A_383 = arith.constant 0 : i32
      %dma_wait3A_384 = tpu.memref_slice %arg7[%dma_wait3A_383] : memref<10240xf32, #tpu.memory_space<vmem_shared>> -> memref<10240xf32, #tpu.memory_space<vmem_shared>>
      tpu.wait_indirect_dma semaphore(%arg8 : memref<!tpu.dma_semaphore, #tpu.memory_space<semaphore_mem>>) src(%arg5 : memref<128xf32, #tpu.memory_space<vmem>>) dst(%dma_wait3A_384 : memref<10240xf32, #tpu.memory_space<vmem_shared>>)
      %dma_wait3A_385 = arith.constant 0 : i32
      %dma_wait3A_386 = tpu.memref_slice %arg4[%add3A_325, %dma_wait3A_385] : memref<40x128xi32, #tpu.memory_space<vmem>> -> memref<1x128xi32, #tpu.memory_space<vmem>>
      %dma_wait3A_387 = tpu.memref_squeeze %dma_wait3A_386 : memref<1x128xi32, #tpu.memory_space<vmem>> -> memref<128xi32, #tpu.memory_space<vmem>>
      %dma_wait3A_388 = arith.constant 0 : i32
      %dma_wait3A_389 = tpu.memref_slice %arg7[%dma_wait3A_388] : memref<10240xf32, #tpu.memory_space<vmem_shared>> -> memref<10240xf32, #tpu.memory_space<vmem_shared>>
      tpu.wait_indirect_dma semaphore(%arg8 : memref<!tpu.dma_semaphore, #tpu.memory_space<semaphore_mem>>) src(%arg5 : memref<128xf32, #tpu.memory_space<vmem>>) dst(%dma_wait3A_389 : memref<10240xf32, #tpu.memory_space<vmem_shared>>)
      %dma_wait3A_390 = arith.constant 0 : i32
      %dma_wait3A_391 = tpu.memref_slice %arg4[%add3A_334, %dma_wait3A_390] : memref<40x128xi32, #tpu.memory_space<vmem>> -> memref<1x128xi32, #tpu.memory_space<vmem>>
      %dma_wait3A_392 = tpu.memref_squeeze %dma_wait3A_391 : memref<1x128xi32, #tpu.memory_space<vmem>> -> memref<128xi32, #tpu.memory_space<vmem>>
      %dma_wait3A_393 = arith.constant 0 : i32
      %dma_wait3A_394 = tpu.memref_slice %arg7[%dma_wait3A_393] : memref<10240xf32, #tpu.memory_space<vmem_shared>> -> memref<10240xf32, #tpu.memory_space<vmem_shared>>
      tpu.wait_indirect_dma semaphore(%arg8 : memref<!tpu.dma_semaphore, #tpu.memory_space<semaphore_mem>>) src(%arg5 : memref<128xf32, #tpu.memory_space<vmem>>) dst(%dma_wait3A_394 : memref<10240xf32, #tpu.memory_space<vmem_shared>>)
      %dma_wait3A_395 = arith.constant 0 : i32
      %dma_wait3A_396 = tpu.memref_slice %arg4[%add3A_343, %dma_wait3A_395] : memref<40x128xi32, #tpu.memory_space<vmem>> -> memref<1x128xi32, #tpu.memory_space<vmem>>
      %dma_wait3A_397 = tpu.memref_squeeze %dma_wait3A_396 : memref<1x128xi32, #tpu.memory_space<vmem>> -> memref<128xi32, #tpu.memory_space<vmem>>
      %dma_wait3A_398 = arith.constant 0 : i32
      %dma_wait3A_399 = tpu.memref_slice %arg7[%dma_wait3A_398] : memref<10240xf32, #tpu.memory_space<vmem_shared>> -> memref<10240xf32, #tpu.memory_space<vmem_shared>>
      tpu.wait_indirect_dma semaphore(%arg8 : memref<!tpu.dma_semaphore, #tpu.memory_space<semaphore_mem>>) src(%arg5 : memref<128xf32, #tpu.memory_space<vmem>>) dst(%dma_wait3A_399 : memref<10240xf32, #tpu.memory_space<vmem_shared>>)
      %dma_wait3A_400 = arith.constant 0 : i32
      %dma_wait3A_401 = tpu.memref_slice %arg4[%add3A_352, %dma_wait3A_400] : memref<40x128xi32, #tpu.memory_space<vmem>> -> memref<1x128xi32, #tpu.memory_space<vmem>>
      %dma_wait3A_402 = tpu.memref_squeeze %dma_wait3A_401 : memref<1x128xi32, #tpu.memory_space<vmem>> -> memref<128xi32, #tpu.memory_space<vmem>>
      %dma_wait3A_403 = arith.constant 0 : i32
      %dma_wait3A_404 = tpu.memref_slice %arg7[%dma_wait3A_403] : memref<10240xf32, #tpu.memory_space<vmem_shared>> -> memref<10240xf32, #tpu.memory_space<vmem_shared>>
      tpu.wait_indirect_dma semaphore(%arg8 : memref<!tpu.dma_semaphore, #tpu.memory_space<semaphore_mem>>) src(%arg5 : memref<128xf32, #tpu.memory_space<vmem>>) dst(%dma_wait3A_404 : memref<10240xf32, #tpu.memory_space<vmem_shared>>)
      %dma_wait3A_405 = arith.constant 0 : i32
      %dma_wait3A_406 = tpu.memref_slice %arg4[%add3A_361, %dma_wait3A_405] : memref<40x128xi32, #tpu.memory_space<vmem>> -> memref<1x128xi32, #tpu.memory_space<vmem>>
      %dma_wait3A_407 = tpu.memref_squeeze %dma_wait3A_406 : memref<1x128xi32, #tpu.memory_space<vmem>> -> memref<128xi32, #tpu.memory_space<vmem>>
      %dma_wait3A_408 = arith.constant 0 : i32
      %dma_wait3A_409 = tpu.memref_slice %arg7[%dma_wait3A_408] : memref<10240xf32, #tpu.memory_space<vmem_shared>> -> memref<10240xf32, #tpu.memory_space<vmem_shared>>
      tpu.wait_indirect_dma semaphore(%arg8 : memref<!tpu.dma_semaphore, #tpu.memory_space<semaphore_mem>>) src(%arg5 : memref<128xf32, #tpu.memory_space<vmem>>) dst(%dma_wait3A_409 : memref<10240xf32, #tpu.memory_space<vmem_shared>>)
      %dma_wait3A_410 = arith.constant 0 : i32
      %dma_wait3A_411 = tpu.memref_slice %arg4[%add3A_370, %dma_wait3A_410] : memref<40x128xi32, #tpu.memory_space<vmem>> -> memref<1x128xi32, #tpu.memory_space<vmem>>
      %dma_wait3A_412 = tpu.memref_squeeze %dma_wait3A_411 : memref<1x128xi32, #tpu.memory_space<vmem>> -> memref<128xi32, #tpu.memory_space<vmem>>
      %dma_wait3A_413 = arith.constant 0 : i32
      %dma_wait3A_414 = tpu.memref_slice %arg7[%dma_wait3A_413] : memref<10240xf32, #tpu.memory_space<vmem_shared>> -> memref<10240xf32, #tpu.memory_space<vmem_shared>>
      tpu.wait_indirect_dma semaphore(%arg8 : memref<!tpu.dma_semaphore, #tpu.memory_space<semaphore_mem>>) src(%arg5 : memref<128xf32, #tpu.memory_space<vmem>>) dst(%dma_wait3A_414 : memref<10240xf32, #tpu.memory_space<vmem_shared>>)
    }
    %scan3A_295 = arith.constant 5 : i32
    %barrier3A_296 = arith.constant 0 : index
    tpu.barrier barrier_id(%barrier3A_296)
    %mul3A_297 = arith.constant 640 : i32
    %mul3A_298 = arith.muli %arg1, %mul3A_297 : i32
    %mul3A_299 = arith.constant 10240 : i32
    %mul3A_300 = arith.muli %arg0, %mul3A_299 : i32
    %mul3A_301 = arith.constant 640 : i32
    %mul3A_302 = arith.muli %arg1, %mul3A_301 : i32
    %add3A_303 = arith.addi %mul3A_300, %mul3A_302 : i32
    "tpu.region"() ({
      %run_scoped3A = tpu.sem_alloc : memref<!tpu.dma_semaphore, #tpu.memory_space<semaphore_mem>>
      %dma_start3A = tpu.memref_slice %arg3[%add3A_303] : memref<20480xf32, #tpu.memory_space<hbm>> -> memref<640xf32, #tpu.memory_space<hbm>>
      %dma_start3A_304 = tpu.memref_slice %arg7[%mul3A_298] : memref<10240xf32, #tpu.memory_space<vmem_shared>> -> memref<640xf32, #tpu.memory_space<vmem_shared>>
      tpu.enqueue_dma source(%dma_start3A_304 : memref<640xf32, #tpu.memory_space<vmem_shared>>) target(%dma_start3A : memref<640xf32, #tpu.memory_space<hbm>>) target_semaphore(%run_scoped3A : memref<!tpu.dma_semaphore, #tpu.memory_space<semaphore_mem>>)
      %dma_wait3A = tpu.memref_slice %arg3[%add3A_303] : memref<20480xf32, #tpu.memory_space<hbm>> -> memref<640xf32, #tpu.memory_space<hbm>>
      %dma_wait3A_305 = tpu.memref_slice %arg7[%mul3A_298] : memref<10240xf32, #tpu.memory_space<vmem_shared>> -> memref<640xf32, #tpu.memory_space<vmem_shared>>
      tpu.wait_dma2 semaphore(%run_scoped3A : memref<!tpu.dma_semaphore, #tpu.memory_space<semaphore_mem>>) src(%dma_wait3A_305 : memref<640xf32, #tpu.memory_space<vmem_shared>>) dst(%dma_wait3A : memref<640xf32, #tpu.memory_space<hbm>>)
      tpu.yield
    }) : () -> ()
    return
  }
}

module attributes {stable_mosaic.version = 14 : i64} {
  func.func @_edge_body_t(%arg0: i32, %arg1: memref<16x32000xf32, #tpu.memory_space<vmem>>, %arg2: memref<16x16xf32, #tpu.memory_space<vmem>>, %arg3: memref<16x1xf32, #tpu.memory_space<vmem>>, %arg4: memref<16x32000xf32, #tpu.memory_space<vmem>>) attributes {dimension_semantics = [#tpu.dimension_semantics<arbitrary>], iteration_bounds = array<i64: 5>, scalar_prefetch = 0 : i64, scratch_operands = 0 : i64, tpu.core_type = #tpu.core_type<tc>, window_params = [{transform_indices = @transform_0, window_bounds = array<i64: 16, 32000>}, {pipeline_mode = #tpu.pipeline_mode<synchronous>, transform_indices = @transform_1, window_bounds = array<i64: 16, 16>}, {pipeline_mode = #tpu.pipeline_mode<synchronous>, transform_indices = @transform_2, window_bounds = array<i64: 16, 1>}, {transform_indices = @transform_3, window_bounds = array<i64: 16, 32000>}]} {
    %get3A = arith.constant 0 : index
    %get3A_0 = arith.constant 0 : index
    %get3A_1 = vector.load %arg1[%get3A, %get3A_0] : memref<16x32000xf32, #tpu.memory_space<vmem>>, vector<16x32000xf32>
    %get3A_2 = arith.constant 0 : index
    %get3A_3 = arith.constant 0 : index
    %get3A_4 = vector.load %arg2[%get3A_2, %get3A_3] : memref<16x16xf32, #tpu.memory_space<vmem>>, vector<16x16xf32>
    %dot_general3A = arith.constant dense<0.000000e+00> : vector<16x32000xf32>
    %dot_general3A_5 = tpu.matmul %get3A_4, %get3A_1, %dot_general3A {dimension_numbers = #tpu.dot_dimension_numbers<[1], [0], [0], [1], [0, 0, 1, 1], [], []>, transpose_lhs_hint = false} : vector<16x16xf32>, vector<16x32000xf32>, vector<16x32000xf32> -> vector<16x32000xf32>
    %get3A_6 = arith.constant 0 : index
    %get3A_7 = arith.constant 0 : index
    %get3A_8 = vector.load %arg3[%get3A_6, %get3A_7] : memref<16x1xf32, #tpu.memory_space<vmem>>, vector<16x1xf32>
    %add3A = vector.broadcast %get3A_8 : vector<16x1xf32> to vector<16x32000xf32>
    %add3A_9 = arith.addf %dot_general3A_5, %add3A : vector<16x32000xf32>
    %max3A = arith.constant 0.000000e+00 : f32
    %max3A_10 = vector.broadcast %max3A : f32 to vector<16x32000xf32>
    %max3A_11 = arith.maximumf %add3A_9, %max3A_10 : vector<16x32000xf32>
    %add3A_12 = arith.addf %max3A_11, %get3A_1 : vector<16x32000xf32>
    %swap3A = arith.constant 0 : index
    %swap3A_13 = arith.constant 0 : index
    %swap3A_14 = vector.load %arg4[%swap3A, %swap3A_13] : memref<16x32000xf32, #tpu.memory_space<vmem>>, vector<16x32000xf32>
    tpu.vector_store %arg4[%swap3A, %swap3A_13], %add3A_12 {strides = array<i32>} : memref<16x32000xf32, #tpu.memory_space<vmem>>, vector<16x32000xf32>,
    return
  }
  func.func @transform_0(%arg0: i32) -> (i32, i32) {
    %c0_i32 = arith.constant 0 : i32
    %c0_i32_0 = arith.constant 0 : i32
    return %c0_i32, %arg0 : i32, i32
  }
  func.func @transform_1(%arg0: i32) -> (i32, i32) {
    %c0_i32 = arith.constant 0 : i32
    %c0_i32_0 = arith.constant 0 : i32
    %c0_i32_1 = arith.constant 0 : i32
    return %c0_i32, %c0_i32_0 : i32, i32
  }
  func.func @transform_2(%arg0: i32) -> (i32, i32) {
    %c0_i32 = arith.constant 0 : i32
    %c0_i32_0 = arith.constant 0 : i32
    %c0_i32_1 = arith.constant 0 : i32
    return %c0_i32, %c0_i32_0 : i32, i32
  }
  func.func @transform_3(%arg0: i32) -> (i32, i32) {
    %c0_i32 = arith.constant 0 : i32
    %c0_i32_0 = arith.constant 0 : i32
    return %c0_i32, %arg0 : i32, i32
  }
}

module attributes {stable_mosaic.version = 14 : i64} {
  func.func @_node_body(%arg0: i32, %arg1: memref<2000x128xf32, #tpu.memory_space<vmem>>, %arg2: memref<2x2000x1xf32, #tpu.memory_space<vmem>>, %arg3: memref<4x128x128xf32, #tpu.memory_space<vmem>>, %arg4: memref<4x128x128xf32, #tpu.memory_space<vmem>>, %arg5: memref<128x256xf32, #tpu.memory_space<vmem>>, %arg6: memref<1x128xf32, #tpu.memory_space<vmem>>, %arg7: memref<128x128xf32, #tpu.memory_space<vmem>>, %arg8: memref<1x128xf32, #tpu.memory_space<vmem>>, %arg9: memref<2000x128xf32, #tpu.memory_space<vmem>>, %arg10: memref<128x128xf32, #tpu.memory_space<vmem>>) attributes {dimension_semantics = [#tpu.dimension_semantics<arbitrary>], iteration_bounds = array<i64: 5>, scalar_prefetch = 0 : i64, scratch_operands = 1 : i64, tpu.core_type = #tpu.core_type<tc>, window_params = [{transform_indices = @transform_0, window_bounds = array<i64: 2000, 128>}, {transform_indices = @transform_1, window_bounds = array<i64: 2, 2000, 1>}, {pipeline_mode = #tpu.pipeline_mode<synchronous>, transform_indices = @transform_2, window_bounds = array<i64: 4, 128, 128>}, {pipeline_mode = #tpu.pipeline_mode<synchronous>, transform_indices = @transform_3, window_bounds = array<i64: 4, 128, 128>}, {pipeline_mode = #tpu.pipeline_mode<synchronous>, transform_indices = @transform_4, window_bounds = array<i64: 128, 256>}, {pipeline_mode = #tpu.pipeline_mode<synchronous>, transform_indices = @transform_5, window_bounds = array<i64: 1, 128>}, {pipeline_mode = #tpu.pipeline_mode<synchronous>, transform_indices = @transform_6, window_bounds = array<i64: 128, 128>}, {pipeline_mode = #tpu.pipeline_mode<synchronous>, transform_indices = @transform_7, window_bounds = array<i64: 1, 128>}, {transform_indices = @transform_8, window_bounds = array<i64: 2000, 128>}]} {
    %eq3A = arith.constant 0 : i32
    %eq3A_0 = arith.cmpi eq, %arg0, %eq3A : i32
    %convert_element_type3A = arith.extui %eq3A_0 : i1 to i32
    %cond3A = arith.constant 0 : i32
    %cond3A_1 = arith.cmpi ne, %convert_element_type3A, %cond3A : i32
    scf.if %cond3A_1 {
      %get3A_44 = arith.constant 0 : index
      %get3A_45 = arith.constant 0 : index
      %get3A_46 = arith.constant 0 : index
      %get3A_47 = vector.load %arg3[%get3A_44, %get3A_45, %get3A_46] : memref<4x128x128xf32, #tpu.memory_space<vmem>>, vector<1x128x128xf32>
      %get3A_48 = vector.shape_cast %get3A_47 : vector<1x128x128xf32> to vector<128x128xf32>
      %get3A_49 = arith.constant 1 : index
      %get3A_50 = arith.constant 0 : index
      %get3A_51 = arith.constant 0 : index
      %get3A_52 = vector.load %arg3[%get3A_49, %get3A_50, %get3A_51] : memref<4x128x128xf32, #tpu.memory_space<vmem>>, vector<1x128x128xf32>
      %get3A_53 = vector.shape_cast %get3A_52 : vector<1x128x128xf32> to vector<128x128xf32>
      %add3A_54 = arith.addf %get3A_48, %get3A_53 : vector<128x128xf32>
      %get3A_55 = arith.constant 2 : index
      %get3A_56 = arith.constant 0 : index
      %get3A_57 = arith.constant 0 : index
      %get3A_58 = vector.load %arg3[%get3A_55, %get3A_56, %get3A_57] : memref<4x128x128xf32, #tpu.memory_space<vmem>>, vector<1x128x128xf32>
      %get3A_59 = vector.shape_cast %get3A_58 : vector<1x128x128xf32> to vector<128x128xf32>
      %add3A_60 = arith.addf %add3A_54, %get3A_59 : vector<128x128xf32>
      %get3A_61 = arith.constant 3 : index
      %get3A_62 = arith.constant 0 : index
      %get3A_63 = arith.constant 0 : index
      %get3A_64 = vector.load %arg3[%get3A_61, %get3A_62, %get3A_63] : memref<4x128x128xf32, #tpu.memory_space<vmem>>, vector<1x128x128xf32>
      %get3A_65 = vector.shape_cast %get3A_64 : vector<1x128x128xf32> to vector<128x128xf32>
      %add3A_66 = arith.addf %add3A_60, %get3A_65 : vector<128x128xf32>
      %get3A_67 = arith.constant 0 : index
      %get3A_68 = arith.constant 0 : index
      %get3A_69 = arith.constant 0 : index
      %get3A_70 = vector.load %arg4[%get3A_67, %get3A_68, %get3A_69] : memref<4x128x128xf32, #tpu.memory_space<vmem>>, vector<1x128x128xf32>
      %get3A_71 = vector.shape_cast %get3A_70 : vector<1x128x128xf32> to vector<128x128xf32>
      %get3A_72 = arith.constant 1 : index
      %get3A_73 = arith.constant 0 : index
      %get3A_74 = arith.constant 0 : index
      %get3A_75 = vector.load %arg4[%get3A_72, %get3A_73, %get3A_74] : memref<4x128x128xf32, #tpu.memory_space<vmem>>, vector<1x128x128xf32>
      %get3A_76 = vector.shape_cast %get3A_75 : vector<1x128x128xf32> to vector<128x128xf32>
      %add3A_77 = arith.addf %get3A_71, %get3A_76 : vector<128x128xf32>
      %get3A_78 = arith.constant 2 : index
      %get3A_79 = arith.constant 0 : index
      %get3A_80 = arith.constant 0 : index
      %get3A_81 = vector.load %arg4[%get3A_78, %get3A_79, %get3A_80] : memref<4x128x128xf32, #tpu.memory_space<vmem>>, vector<1x128x128xf32>
      %get3A_82 = vector.shape_cast %get3A_81 : vector<1x128x128xf32> to vector<128x128xf32>
      %add3A_83 = arith.addf %add3A_77, %get3A_82 : vector<128x128xf32>
      %get3A_84 = arith.constant 3 : index
      %get3A_85 = arith.constant 0 : index
      %get3A_86 = arith.constant 0 : index
      %get3A_87 = vector.load %arg4[%get3A_84, %get3A_85, %get3A_86] : memref<4x128x128xf32, #tpu.memory_space<vmem>>, vector<1x128x128xf32>
      %get3A_88 = vector.shape_cast %get3A_87 : vector<1x128x128xf32> to vector<128x128xf32>
      %add3A_89 = arith.addf %add3A_83, %get3A_88 : vector<128x128xf32>
      %get3A_90 = arith.constant 0 : index
      %get3A_91 = arith.constant 0 : index
      %get3A_92 = vector.load %arg5[%get3A_90, %get3A_91] : memref<128x256xf32, #tpu.memory_space<vmem>>, vector<128x128xf32>
      %get3A_93 = arith.constant 0 : index
      %get3A_94 = arith.constant 128 : index
      %get3A_95 = vector.load %arg5[%get3A_93, %get3A_94] : memref<128x256xf32, #tpu.memory_space<vmem>>, vector<128x128xf32>
      %dot_general3A_96 = arith.constant dense<0.000000e+00> : vector<128x128xf32>
      %dot_general3A_97 = tpu.matmul %add3A_66, %get3A_92, %dot_general3A_96 {dimension_numbers = #tpu.dot_dimension_numbers<[1], [1], [0], [0], [0, 0, 1, 0], [], []>, transpose_lhs_hint = false} : vector<128x128xf32>, vector<128x128xf32>, vector<128x128xf32> -> vector<128x128xf32>
      %div3A = arith.constant 4.000000e+00 : f32
      %div3A_98 = vector.broadcast %div3A : f32 to vector<128x128xf32>
      %div3A_99 = arith.divf %dot_general3A_97, %div3A_98 : vector<128x128xf32>
      %dot_general3A_100 = arith.constant dense<0.000000e+00> : vector<128x128xf32>
      %dot_general3A_101 = tpu.matmul %add3A_89, %get3A_95, %dot_general3A_100 {dimension_numbers = #tpu.dot_dimension_numbers<[1], [1], [0], [0], [0, 0, 1, 0], [], []>, transpose_lhs_hint = false} : vector<128x128xf32>, vector<128x128xf32>, vector<128x128xf32> -> vector<128x128xf32>
      %div3A_102 = arith.constant 4.000000e+00 : f32
      %div3A_103 = vector.broadcast %div3A_102 : f32 to vector<128x128xf32>
      %div3A_104 = arith.divf %dot_general3A_101, %div3A_103 : vector<128x128xf32>
      %add3A_105 = arith.addf %div3A_99, %div3A_104 : vector<128x128xf32>
      %swap3A_106 = arith.constant 0 : index
      %swap3A_107 = arith.constant 0 : index
      %swap3A_108 = vector.load %arg10[%swap3A_106, %swap3A_107] : memref<128x128xf32, #tpu.memory_space<vmem>>, vector<128x128xf32>
      tpu.vector_store %arg10[%swap3A_106, %swap3A_107], %add3A_105 {strides = array<i32>} : memref<128x128xf32, #tpu.memory_space<vmem>>, vector<128x128xf32>,
    } else {
    }
    %get3A = arith.constant 0 : index
    %get3A_2 = arith.constant 0 : index
    %get3A_3 = vector.load %arg1[%get3A, %get3A_2] : memref<2000x128xf32, #tpu.memory_space<vmem>>, vector<2000x128xf32>
    %get3A_4 = arith.constant 0 : index
    %get3A_5 = arith.constant 0 : index
    %get3A_6 = vector.load %arg10[%get3A_4, %get3A_5] : memref<128x128xf32, #tpu.memory_space<vmem>>, vector<128x128xf32>
    %dot_general3A = arith.constant dense<0.000000e+00> : vector<2000x128xf32>
    %dot_general3A_7 = tpu.matmul %get3A_3, %get3A_6, %dot_general3A {dimension_numbers = #tpu.dot_dimension_numbers<[1], [0], [0], [1], [0, 0, 1, 1], [], []>, transpose_lhs_hint = false} : vector<2000x128xf32>, vector<128x128xf32>, vector<2000x128xf32> -> vector<2000x128xf32>
    %get3A_8 = arith.constant 0 : index
    %get3A_9 = arith.constant 0 : index
    %get3A_10 = vector.load %arg6[%get3A_8, %get3A_9] : memref<1x128xf32, #tpu.memory_space<vmem>>, vector<1x128xf32>
    %add3A = vector.broadcast %get3A_10 : vector<1x128xf32> to vector<2000x128xf32>
    %add3A_11 = arith.addf %dot_general3A_7, %add3A : vector<2000x128xf32>
    %max3A = arith.constant 0.000000e+00 : f32
    %max3A_12 = vector.broadcast %max3A : f32 to vector<2000x128xf32>
    %max3A_13 = arith.maximumf %add3A_11, %max3A_12 : vector<2000x128xf32>
    %get3A_14 = arith.constant 0 : index
    %get3A_15 = arith.constant 0 : index
    %get3A_16 = arith.constant 0 : index
    %get3A_17 = vector.load %arg2[%get3A_14, %get3A_15, %get3A_16] : memref<2x2000x1xf32, #tpu.memory_space<vmem>>, vector<1x2000x1xf32>
    %get3A_18 = vector.shape_cast %get3A_17 : vector<1x2000x1xf32> to vector<2000x1xf32>
    %get3A_19 = arith.constant 1 : index
    %get3A_20 = arith.constant 0 : index
    %get3A_21 = arith.constant 0 : index
    %get3A_22 = vector.load %arg2[%get3A_19, %get3A_20, %get3A_21] : memref<2x2000x1xf32, #tpu.memory_space<vmem>>, vector<1x2000x1xf32>
    %get3A_23 = vector.shape_cast %get3A_22 : vector<1x2000x1xf32> to vector<2000x1xf32>
    %add3A_24 = arith.addf %get3A_18, %get3A_23 : vector<2000x1xf32>
    %gt3A = arith.constant 0.000000e+00 : f32
    %gt3A_25 = vector.broadcast %gt3A : f32 to vector<2000x1xf32>
    %gt3A_26 = arith.cmpf ogt, %add3A_24, %gt3A_25 : vector<2000x1xf32>
    %broadcast_in_dim3A = vector.shape_cast %gt3A_26 : vector<2000x1xi1> to vector<2000x1xi1>
    %broadcast_in_dim3A_27 = vector.broadcast %broadcast_in_dim3A : vector<2000x1xi1> to vector<2000x128xi1>
    %select_n3A = arith.select %broadcast_in_dim3A_27, %max3A_13, %get3A_3 : vector<2000x128xi1>, vector<2000x128xf32>
    %get3A_28 = arith.constant 0 : index
    %get3A_29 = arith.constant 0 : index
    %get3A_30 = vector.load %arg7[%get3A_28, %get3A_29] : memref<128x128xf32, #tpu.memory_space<vmem>>, vector<128x128xf32>
    %dot_general3A_31 = arith.constant dense<0.000000e+00> : vector<2000x128xf32>
    %dot_general3A_32 = tpu.matmul %select_n3A, %get3A_30, %dot_general3A_31 {dimension_numbers = #tpu.dot_dimension_numbers<[1], [1], [0], [0], [0, 0, 1, 0], [], []>, transpose_lhs_hint = false} : vector<2000x128xf32>, vector<128x128xf32>, vector<2000x128xf32> -> vector<2000x128xf32>
    %get3A_33 = arith.constant 0 : index
    %get3A_34 = arith.constant 0 : index
    %get3A_35 = vector.load %arg8[%get3A_33, %get3A_34] : memref<1x128xf32, #tpu.memory_space<vmem>>, vector<1x128xf32>
    %add3A_36 = vector.broadcast %get3A_35 : vector<1x128xf32> to vector<2000x128xf32>
    %add3A_37 = arith.addf %dot_general3A_32, %add3A_36 : vector<2000x128xf32>
    %max3A_38 = arith.constant 0.000000e+00 : f32
    %max3A_39 = vector.broadcast %max3A_38 : f32 to vector<2000x128xf32>
    %max3A_40 = arith.maximumf %add3A_37, %max3A_39 : vector<2000x128xf32>
    %add3A_41 = arith.addf %max3A_40, %get3A_3 : vector<2000x128xf32>
    %swap3A = arith.constant 0 : index
    %swap3A_42 = arith.constant 0 : index
    %swap3A_43 = vector.load %arg9[%swap3A, %swap3A_42] : memref<2000x128xf32, #tpu.memory_space<vmem>>, vector<2000x128xf32>
    tpu.vector_store %arg9[%swap3A, %swap3A_42], %add3A_41 {strides = array<i32>} : memref<2000x128xf32, #tpu.memory_space<vmem>>, vector<2000x128xf32>,
    return
  }
  func.func @transform_0(%arg0: i32) -> (i32, i32) {
    %c0_i32 = arith.constant 0 : i32
    %c0_i32_0 = arith.constant 0 : i32
    return %arg0, %c0_i32 : i32, i32
  }
  func.func @transform_1(%arg0: i32) -> (i32, i32, i32) {
    %c0_i32 = arith.constant 0 : i32
    %c0_i32_0 = arith.constant 0 : i32
    %c0_i32_1 = arith.constant 0 : i32
    return %c0_i32, %arg0, %c0_i32_0 : i32, i32, i32
  }
  func.func @transform_2(%arg0: i32) -> (i32, i32, i32) {
    %c0_i32 = arith.constant 0 : i32
    %c0_i32_0 = arith.constant 0 : i32
    %c0_i32_1 = arith.constant 0 : i32
    %c0_i32_2 = arith.constant 0 : i32
    return %c0_i32, %c0_i32_0, %c0_i32_1 : i32, i32, i32
  }
  func.func @transform_3(%arg0: i32) -> (i32, i32, i32) {
    %c0_i32 = arith.constant 0 : i32
    %c0_i32_0 = arith.constant 0 : i32
    %c0_i32_1 = arith.constant 0 : i32
    %c0_i32_2 = arith.constant 0 : i32
    return %c0_i32, %c0_i32_0, %c0_i32_1 : i32, i32, i32
  }
  func.func @transform_4(%arg0: i32) -> (i32, i32) {
    %c0_i32 = arith.constant 0 : i32
    %c0_i32_0 = arith.constant 0 : i32
    %c0_i32_1 = arith.constant 0 : i32
    return %c0_i32, %c0_i32_0 : i32, i32
  }
  func.func @transform_5(%arg0: i32) -> (i32, i32) {
    %c0_i32 = arith.constant 0 : i32
    %c0_i32_0 = arith.constant 0 : i32
    %c0_i32_1 = arith.constant 0 : i32
    return %c0_i32, %c0_i32_0 : i32, i32
  }
  func.func @transform_6(%arg0: i32) -> (i32, i32) {
    %c0_i32 = arith.constant 0 : i32
    %c0_i32_0 = arith.constant 0 : i32
    %c0_i32_1 = arith.constant 0 : i32
    return %c0_i32, %c0_i32_0 : i32, i32
  }
  func.func @transform_7(%arg0: i32) -> (i32, i32) {
    %c0_i32 = arith.constant 0 : i32
    %c0_i32_0 = arith.constant 0 : i32
    %c0_i32_1 = arith.constant 0 : i32
    return %c0_i32, %c0_i32_0 : i32, i32
  }
  func.func @transform_8(%arg0: i32) -> (i32, i32) {
    %c0_i32 = arith.constant 0 : i32
    %c0_i32_0 = arith.constant 0 : i32
    return %arg0, %c0_i32 : i32, i32
  }
}

</mosaic_0001>

<sc_bundles>
// kernel: kernel.5.cloned.1.call-start
scs
__scs_entry_jumppad:
0x0: {  	(pc) =	sbr.rel $0x88, $3  }
0x1: {  	(tag) =	ssettag $0x0;
	lr =	simm.s32 $0x1  }
0x2: {  	[smem:$0x3F96] =	sst lr;
	_ =	strace $0xD0000000  }
0x3: {  	_ = 	snop  }
0x4: {  	_ = 	snop  }
0x5: {  	_ = 	snop  }
0x6: {  	_ = 	snop  }
0x7: {  	_ = 	snop  }
__scs_overlays_trampoline_lowered:
0x8: {  	[smem:$0x3FA5] =	sst s0  }
0x9: {  	[smem:$0x3FA6] =	sst s1  }
0xa: {  	[smem:$0x3FA7] =	sst s2  }
0xb: {  	[smem:$0x3FA8] =	sst s3  }
0xc: {  	[smem:$0x3FA9] =	sst s4  }
0xd: {  	[smem:$0x3FAA] =	sst s5  }
0xe: {  	[smem:$0x3FAB] =	sst s6  }
0xf: {  	[smem:$0x3FAC] =	sst s7  }
0x10: {  	[smem:$0x3FAD] =	sst s8  }
0x11: {  	[smem:$0x3FAE] =	sst s9;
	s0 =	simm.s32 @!p0 $0x0  }
0x12: {  	s1 =	sld [smem:$0x3F94];
	s0 =	simm.s32 @p0 $0x1  }
0x13: {  	[smem:$0x3FAF] =	sst s0;
	s0 =	simm.s32 @!p1 $0x0  }
0x14: {  	s2 =	sld [smem:$0x3F93];
	s0 =	simm.s32 @p1 $0x1  }
0x15: {  	[smem:$0x3FB0] =	sst s0;
	s0 =	simm.s32 @!p2 $0x0  }
0x16: {  	s3 =	sld [smem:$0x3FDB];
	s0 =	simm.s32 @p2 $0x1  }
0x17: {  	s4 =	simm.s32 $0x1BF5;
	[smem:$0x3FB2] =	sst s0  }
0x18: {  	s0 =	sld [smem:$0x3F95];
	_ =	swait.ge [sflag:s4], $0x0  }
0x19: {  	s7 =	sld [smem:$0x3F96]  }
0x1a: {  	s8 =	sadd.s32 $0xFFFFE003, lr  }
0x1b: {  	s9 =	sadd.s32 $0xFFFFFEF7, lr;
	s5 =	simm.s32 $0xFFFFFFFF;
	p2 =	slt.u32 s8, $0xFFFFF086  }
0x1c: {  	p1 =	slt.u32 s9, $0xF7A;
	s5 =	simm.s32 @!p2 $0x0  }
0x1d: {  	s5 =	simm.s32 @p1 $0x1;
	p0 =	seq.s32 s7, s2  }
0x1e: {  	s7 =	smul.u32 @!p0 $0xF7A, s2;
	p2 =	seq.s32 @!p0 s5, $0x0  }
0x1f: {  	s9 =	smul.u32 $0xF7A, s1;
	s8 =	simm.s32 @!p0 $0x1BF5;
	p2 =	por !p2, p0  }
0x20: {  	[sflag:s8] =	ssyncset.s32 @!p0 $0xFFFFF086;
	s6 =	sadd.s32 @!p0 s3, s7;
	s7 =	simm.s32 @!p0 $0x108  }
0x21: {  	s3 =	sadd.s32 s3, s9;
	s6 =	sadd.s32 @!p0 $0x88, s6;
	s7 =	simm.s32 @p2 $0x1082  }
0x22: {  	[simem:s7], [sflag:s8] =	dma.local @!p0 [hbm:s6], $0xF7A  }
0x23: {  	s9 =	sor.u32 $0xD0000000, s2;
	s6 =	simm.s32 $0x108;
	_ =	swait.ge @!p0 [sflag:s8], $0x0  }
0x24: {  	s3 =	sadd.s32 $0x88, s3;
	s6 =	simm.s32 @!p1 $0x1082;
	[sflag:s4] =	ssyncset.s32 $0xFFFFF086  }
0x25: {  	[simem:s6], [sflag:s4] =	dma.local [hbm:s3], $0xF7A  }
0x26: {  	[smem:$0x3F96] =	sst s1;
	(tag) =	ssettag s2;
	_ =	strace s9  }
0x27: {  	s1 =	sld [smem:$0x3FA6]  }
0x28: {  	s2 =	sld [smem:$0x3FA7]  }
0x29: {  	s4 =	sld [smem:$0x3FA9]  }
0x2a: {  	p0 =	seq.s32 s5, $0x0;
	s5 =	sld [smem:$0x3FAA]  }
0x2b: {  	s6 =	sld [smem:$0x3FAB]  }
0x2c: {  	s7 =	sld [smem:$0x3FAC]  }
0x2d: {  	s3 =	simm.s32 $0x108;
	s8 =	sld [smem:$0x3FAD]  }
0x2e: {  	s3 =	simm.s32 @!p0 $0x1082;
	s9 =	sld [smem:$0x3FAE]  }
0x2f: {  	lr =	sadd.s32 s0, s3;
	s0 =	sld [smem:$0x3FA5]  }
0x30: {  	s3 =	sld [smem:$0x3FA8]  }
0x31: {  	[smem:$0x3FB1] =	sst s10  }
0x32: {  	s10 =	sld [smem:$0x3FAF];
	_ =	sdelay $0x3  }
0x33: {  	p0 =	seq.s32 s10, $0x1;
	s10 =	sld [smem:$0x3FB1];
	_ =	sdelay $0x3  }
0x34: {  	[smem:$0x3FB1] =	sst s10  }
0x35: {  	s10 =	sld [smem:$0x3FB0];
	_ =	sdelay $0x3  }
0x36: {  	p1 =	seq.s32 s10, $0x1;
	s10 =	sld [smem:$0x3FB1];
	_ =	sdelay $0x3  }
0x37: {  	[smem:$0x3FB1] =	sst s10  }
0x38: {  	s10 =	sld [smem:$0x3FB2]  }
0x39: {  	_ = 	snop;
	(pc) =	sbr.ind lr, $3  }
0x3a: {  	_ = 	snop  }
0x3b: {  	_ = 	snop  }
0x3c: {  	p2 =	seq.s32 s10, $0x1;
	s10 =	sld [smem:$0x3FB1]  }
0x3d: {  	_ =	shalt  }
0x3e: {  	_ =	shalt  }
0x3f: {  	_ =	shalt  }
0x40: {  	_ =	shalt  }
0x41: {  	_ =	shalt  }
0x42: {  	_ =	shalt  }
0x43: {  	_ =	shalt  }
0x44: {  	_ =	shalt  }
0x45: {  	_ =	shalt  }
0x46: {  	_ =	shalt  }
0x47: {  	_ =	shalt  }
0x48: {  	_ =	shalt  }
0x49: {  	_ =	shalt  }
0x4a: {  	_ =	shalt  }
0x4b: {  	_ =	shalt  }
0x4c: {  	_ =	shalt  }
0x4d: {  	_ =	shalt  }
0x4e: {  	_ =	shalt  }
0x4f: {  	_ =	shalt  }
0x50: {  	_ =	shalt  }
0x51: {  	_ =	shalt  }
0x52: {  	_ =	shalt  }
0x53: {  	_ =	shalt  }
0x54: {  	_ =	shalt  }
0x55: {  	_ =	shalt  }
0x56: {  	_ =	shalt  }
0x57: {  	_ =	shalt  }
0x58: {  	_ =	shalt  }
0x59: {  	_ =	shalt  }
0x5a: {  	_ =	shalt  }
0x5b: {  	_ =	shalt  }
0x5c: {  	_ =	shalt  }
0x5d: {  	_ =	shalt  }
0x5e: {  	_ =	shalt  }
0x5f: {  	_ =	shalt  }
0x60: {  	_ =	shalt  }
0x61: {  	_ =	shalt  }
0x62: {  	_ =	shalt  }
0x63: {  	_ =	shalt  }
0x64: {  	_ =	shalt  }
0x65: {  	_ =	shalt  }
0x66: {  	_ =	shalt  }
0x67: {  	_ =	shalt  }
0x68: {  	_ =	shalt  }
0x69: {  	_ =	shalt  }
0x6a: {  	_ =	shalt  }
0x6b: {  	_ =	shalt  }
0x6c: {  	_ =	shalt  }
0x6d: {  	_ =	shalt  }
0x6e: {  	_ =	shalt  }
0x6f: {  	_ =	shalt  }
0x70: {  	_ =	shalt  }
0x71: {  	_ =	shalt  }
0x72: {  	_ =	shalt  }
0x73: {  	_ =	shalt  }
0x74: {  	_ =	shalt  }
0x75: {  	_ =	shalt  }
0x76: {  	_ =	shalt  }
0x77: {  	_ =	shalt  }
0x78: {  	_ =	shalt  }
0x79: {  	_ =	shalt  }
0x7a: {  	_ =	shalt  }
0x7b: {  	_ =	shalt  }
0x7c: {  	_ =	shalt  }
0x7d: {  	_ =	shalt  }
0x7e: {  	_ =	shalt  }
0x7f: {  	_ =	shalt  }
0x80: {  	_ =	shalt  }
0x81: {  	_ =	shalt  }
0x82: {  	_ =	shalt  }
0x83: {  	_ =	shalt  }
0x84: {  	_ =	shalt  }
0x85: {  	_ =	shalt  }
0x86: {  	_ =	shalt  }
0x87: {  	_ =	shalt  }
.Lfunc_end0:
.L_simem_size_0:
called_computation_lowered:
.L_overlay_start_0:
0x88: {  	s2 =	sld [smem:$0x3FD9]  }
0x89: {  	s3 =	sld [smem:$0x3FFE];
	_ =	sdelay $0x1  }
0x8a: {  	s1 =	srdreg.scid  }
0x8b: {  	s0 =	sand.u32 $0x1, s1  }
0x8c: {  	s14 =	sshll.u32 s0, $0xA;
	s2 =	sadd.s32 s3, s2  }
0x8d: {  	s2 =	sadd.s32 s2, s14  }
0x8e: {  	[smem:$0x3FBD] =	sst s2  }
0x8f: {  	_ = 	snop  }
0x90: {  	s2 =	sld [smem:$0x3FD0];
	_ =	sdelay $0x2  }
0x91: {  	s15 =	simm.s32 $0xA;
	s4 =	simm.s32 $0x10  }
0x92: {  	[smem:s4], [sflag:s15] =	dma.local [hbm:s2], $0x1  }
0x93: {  	_ =	swait.eq [sflag:s15], $0x1  }
0x94: {  	[sflag:s15] =	ssyncset.done $0x0  }
0x95: {  	[sflag:s15] =	ssyncadd.s32 $0xFFFFFFFF  }
0x96: {  	s16 =	sld [smem:$0x10];
	(tm) =	ssettm $0x1  }
0x97: {  	s17 =	sld [smem:$0x3FFB];
	_ =	sdelay $0x3  }
0x98: {  	_ =	strace s17  }
0x99: {  	s3 =	sld [smem:$0x3FFC];
	_ =	sdelay $0x3  }
0x9a: {  	_ =	strace s3  }
0x9b: {  	s3 =	sld [smem:$0x3FFD];
	_ =	sdelay $0x3  }
0x9c: {  	_ =	strace s3  }
0x9d: {  	_ =	strace $0x8FFFFFFF  }
0x9e: {  	s18 =	sld [smem:$0x3FDB];
	_ =	sdelay $0x1  }
0x9f: {  	s19 =	simm.s32 $_scs_section_size  }
0xa0: {  	s5 =	simm.s32 $_size__tile_overlayer_lowered;
	s6 =	simm.s32 $_tile_overlayer_lowered  }
0xa1: {  	s22 =	simm.s32 $0x1BFF;
	s21 =	sshll.u32 s6, $0x1;
	s3 =	sadd.s32 s19, s18  }
0xa2: {  	s7 =	simm.s32 $0x0;
	s20 =	sshll.u32 s5, $0x1;
	s5 =	sadd.s32 s21, s3  }
0xa3: {  	[timem:s7], [sflag:s22] =	dma.local [hbm:s5], s20  }
0xa4: {  	_ =	swait.ge [sflag:s22], s20  }
0xa5: {  	s4 =	ssub.s32 $0x0, s20;
	[sflag:s22] =	ssyncset.done $0x0  }
0xa6: {  	[sflag:s22] =	ssyncadd.s32 s4;
	_ =	sdelay $0x1  }
0xa7: {  	s23 =	simm.s32 $0x1B8B  }
0xa8: {  	_ =	swait.ge [sflag:s23], $0x1  }
0xa9: {  	[sflag:s23] =	ssyncset.done $0x0  }
0xaa: {  	s25 =	simm.s32 $0x1B8E;
	s24 =	sld [smem:$0x3FFE];
	[sflag:s23] =	ssyncadd.s32 $0xFFFFFFFF  }
0xab: {  	s26 =	simm.s32 $execute0_lowered;
	[smem:$0x3FD2] =	sst s25  }
0xac: {  	s5 =	sshll.u32 s26, $0x1;
	_ =	strace $0x80000046;
	[dreg:$0x1] =	wrdreg $0xFFFFFFFF  }
0xad: {  	s28 =	simm.s32 $_size_execute0_lowered;
	s3 =	sadd.s32 s3, s5;
	[dreg:$0x0] =	wrdreg $0x0  }
0xae: {  	s5 =	sshll.u32 s28, $0x1;
	[dreg:$0x2] =	wrdreg s3  }
0xaf: {  	[dreg:$0x3] =	wrdreg s5  }
0xb0: {  	[dreg:$0x4] =	wrdreg $0xC0  }
0xb1: {  	_ =	task [dreg:s7], $0x5FFFF  }
0xb2: {  	[dreg:$0x1] =	wrdreg $0xFFFFFFFF  }
0xb3: {  	[dreg:$0x0] =	wrdreg $0x60  }
0xb4: {  	[dreg:$0x2] =	wrdreg s16  }
0xb5: {  	[dreg:$0x3] =	wrdreg s24  }
0xb6: {  	[dreg:$0x4] =	wrdreg $0x17000  }
0xb7: {  	[dreg:$0x5] =	wrdreg $0x9  }
0xb8: {  	_ =	task.clear_ibuf [dreg:s7], $0x6FFFF;
	_ =	strace $0x90000046  }
0xb9: {  	s29 =	simm.s32 $0x9;
	_ =	strace $0x80000048  }
0xba: {  	_ =	swait.ge [sflag:s29], $0x1  }
0xbb: {  	[sflag:s29] =	ssyncadd.s32 $0xFFFFFFFF  }
0xbc: {  	_ =	strace $0x90000048  }
0xbd: {  	_ =	sfence  }
0xbe: {  	s30 =	sld [smem:$0x0];
	_ =	sdelay $0x2  }
0xbf: {  	s31 =	sshll.u32 s1, $0xD;
	s1 =	sshrl.u32 s1, $0x2  }
0xc0: {  	s3 =	sand.u32 $0x4000, s31;
	s1 =	sadd.s32 s1, s30  }
0xc1: {  	s0 =	sor.u32 s3, s0;
	s1 =	sshll.u32 s1, $0x11  }
0xc2: {  	s0 =	sor.u32 s1, s0  }
0xc3: {  	s0 =	sadd.s32 $0x8F2B, s0  }
0xc4: {  	[sflag:s0] =	ssyncadd.remote.s32 $0x1  }
0xc5: {  	_ =	sfence.sel $0xFFFF  }
0xc6: {  	[dreg:$0x0] =	wrdreg $0xFFFFFFFF;
	(pc) =	sbr.abs _section_cstart, $3  }
0xc7: {  	[dreg:$0x1] =	wrdreg $0xFFFFFFFF  }
0xc8: {  	_ =	task.clear_ibuf [dreg:s7], $0x2FFFF;
	_ =	strace $0x9FFFFFFF  }
0xc9: {  	(tm) =	ssettm $0x7FFFFFFF  }
tec
execute0_lowered:
.L_overlay_start_1:
0x0: {  	(tag) =	ssettag $0x1  }
0x1: {  	s4 =	rddreg [dreg:$0x0]  }
0x2: {  	s6 =	rddreg [dreg:$0x1];
	s2 =	simm.s32 $0x0  }
0x3: {  	v0 =	vimm.f32 $1.000000000e+00;
	[smem:$0x7FF] =	sst s2  }
0x4: {  	s1 =	rddreg [dreg:$0x2];
	v1 =	vimm.f32 $0.0e+00;
	_ =	strace $0x80000047;
	[tilespmem:$0x1400] =	vst v0  }
0x5: {  	[tilespmem:$0x16F0] =	vst v1  }
0x6: {  	[tilespmem:$0x16E0] =	vst v1  }
0x7: {  	[tilespmem:$0x16D0] =	vst v1  }
0x8: {  	[tilespmem:$0x16C0] =	vst v1  }
0x9: {  	[tilespmem:$0x16B0] =	vst v1  }
0xa: {  	[tilespmem:$0x16A0] =	vst v1  }
0xb: {  	[tilespmem:$0x1690] =	vst v1  }
0xc: {  	[tilespmem:$0x1680] =	vst v1  }
0xd: {  	[tilespmem:$0x1670] =	vst v1  }
0xe: {  	[tilespmem:$0x1660] =	vst v1  }
0xf: {  	[tilespmem:$0x1650] =	vst v1  }
0x10: {  	[tilespmem:$0x1640] =	vst v1  }
0x11: {  	[tilespmem:$0x1630] =	vst v1  }
0x12: {  	[tilespmem:$0x1620] =	vst v1  }
0x13: {  	[tilespmem:$0x1610] =	vst v1  }
0x14: {  	[tilespmem:$0x1600] =	vst v1  }
0x15: {  	[tilespmem:$0x15F0] =	vst v1  }
0x16: {  	[tilespmem:$0x15E0] =	vst v1  }
0x17: {  	[tilespmem:$0x15D0] =	vst v1  }
0x18: {  	[tilespmem:$0x15C0] =	vst v1  }
0x19: {  	[tilespmem:$0x15B0] =	vst v1  }
0x1a: {  	[tilespmem:$0x15A0] =	vst v1  }
0x1b: {  	s9 =	simm.s32 $0x100;
	[tilespmem:$0x1590] =	vst v1  }
0x1c: {  	s10 =	simm.s32 $0x180;
	[tilespmem:$0x1580] =	vst v1;
	[dreg:$0x7] =	wrdreg s9  }
0x1d: {  	s11 =	simm.s32 $0x200;
	[tilespmem:$0x1570] =	vst v1;
	[dreg:$0x8] =	wrdreg s10  }
0x1e: {  	s12 =	simm.s32 $0x280;
	[tilespmem:$0x1560] =	vst v1;
	[dreg:$0x9] =	wrdreg s11  }
0x1f: {  	s13 =	simm.s32 $0x300;
	[tilespmem:$0x1550] =	vst v1;
	[dreg:$0xa] =	wrdreg s12  }
0x20: {  	s14 =	simm.s32 $0x380;
	[tilespmem:$0x1540] =	vst v1;
	[dreg:$0xb] =	wrdreg s13  }
0x21: {  	s15 =	simm.s32 $0x400;
	[tilespmem:$0x1530] =	vst v1;
	[dreg:$0xc] =	wrdreg s14  }
0x22: {  	s16 =	simm.s32 $0x480;
	[tilespmem:$0x1520] =	vst v1;
	[dreg:$0xd] =	wrdreg s15  }
0x23: {  	s17 =	simm.s32 $0x500;
	[tilespmem:$0x1510] =	vst v1;
	[dreg:$0xe] =	wrdreg s16  }
0x24: {  	s18 =	simm.s32 $0x580;
	[tilespmem:$0x1500] =	vst v1;
	[dreg:$0xf] =	wrdreg s17  }
0x25: {  	s5 =	srdreg.scid;
	s19 =	simm.s32 $0x600;
	[tilespmem:$0x14F0] =	vst v1;
	[dreg:$0x10] =	wrdreg s18  }
0x26: {  	s3 =	stileid.u32;
	s20 =	simm.s32 $0x680;
	[tilespmem:$0x14E0] =	vst v1;
	[dreg:$0x11] =	wrdreg s19  }
0x27: {  	s21 =	simm.s32 $0x700;
	s22 =	simm.s32 $0x780;
	[tilespmem:$0x14D0] =	vst v1;
	[dreg:$0x12] =	wrdreg s20  }
0x28: {  	s23 =	simm.s32 $0x800;
	s24 =	simm.s32 $0x880;
	[tilespmem:$0x14C0] =	vst v1;
	[dreg:$0x13] =	wrdreg s21  }
0x29: {  	s25 =	simm.s32 $0x900;
	s28 =	sand.u32 $0x1, s5;
	[tilespmem:$0x14B0] =	vst v1;
	[dreg:$0x14] =	wrdreg s22  }
0x2a: {  	s5 =	smul.u32 $0x280, s3;
	s8 =	sshll.u32 s28, $0x4;
	[tilespmem:$0x14A0] =	vst v1;
	[dreg:$0x15] =	wrdreg s23  }
0x2b: {  	s7 =	smul.u32 $0x2800, s28;
	[tilespmem:$0x1490] =	vst v1;
	[dreg:$0x16] =	wrdreg s24;
	s8 =	sor.u32 s3, s8  }
0x2c: {  	s26 =	simm.s32 $0x980;
	[tilespmem:$0x1480] =	vst v1;
	[dreg:$0x17] =	wrdreg s25;
	s8 =	smul.u32 $0x280, s8  }
0x2d: {  	s31 =	simm.s32 $0xA00;
	[tilespmem:$0x1470] =	vst v0;
	[dreg:$0x18] =	wrdreg s26;
	s7 =	sadd.s32 s5, s7  }
0x2e: {  	[tilespmem:$0x1460] =	vst v0;
	[dreg:$0x19] =	wrdreg s31;
	s7 =	sshrl.u32 s7, $0x3;
	s4 =	sadd.s32 s4, s8  }
0x2f: {  	[tilespmem:$0x1450] =	vst v0;
	s6 =	sadd.s32 s7, s6;
	s8 =	simm.s32 $0x1480;
	[dreg:$0x4] =	wrdreg s4  }
0x30: {  	[tilespmem:$0x1440] =	vst v0;
	s7 =	sadd.s32 $0x1200, s6;
	[dreg:$0x6] =	wrdreg s8  }
0x31: {  	[tilespmem:$0x1430] =	vst v0;
	[dreg:$0x5] =	wrdreg s7  }
0x32: {  	[tilespmem:$0x1420] =	vst v0;
	s8 =	simm.s32 $0xA80;
	s0 =	rddreg [dreg:$0x4]  }
0x33: {  	[tilespmem:$0x1410] =	vst v0;
	s4 =	simm.s32 $0x2;
	[dreg:$0x1a] =	wrdreg s8  }
0x34: {  	[tilespmem:s2], [sflag:$0x2] =	stream.linear.gather [hbm4b:s0+s2], $0x1400, $0x38;
	[tilespmem:$0x1980] =	vst v63  }
0x35: {  	_ =	swait.ge [sflag:s4], $0x1400  }
0x36: {  	[sflag:s4] =	ssyncset.done $0x0  }
0x37: {  	s5 =	sadd.s32 s5, s1;
	s9 =	rddreg [dreg:$0x6];
	[sflag:s4] =	ssyncadd.s32 $0xFFFFEC00  }
0x38: {  	[spmem:s5] =	stream.linear.scatter [tilespmem:s9], [sflag:$0x2], $0x280, $0x38;
	[tilespmem:$0x1980] =	vst v63  }
0x39: {  	_ =	swait.ge [sflag:s4], $0x280  }
0x3a: {  	[sflag:s4] =	ssyncset.done $0x0  }
0x3b: {  	[sflag:s4] =	ssyncadd.s32 $0xFFFFFD80  }
0x3c: {  	s6 =	simm.s32 $0x80;
	s7 =	simm.s32 $0x1400;
	[bflag:$0x0] =	sbarrier.arrive $0xFFFF  }
0x3d: {  	[spmem:s1] =	stream.indirect.scatter.add.f32 [tilespmem:s7], [sflag:$0x1], $0x1, s2, s6, $0xb8;
	[tilespmem:$0x1980] =	vst v63  }
0x3e: {  	_ = 	snop  }
0x3f: {  	[spmem:s1] =	stream.indirect.scatter.add.f32 [tilespmem:s7], [sflag:$0x1], $0x1, s6, s6, $0xb8;
	[tilespmem:$0x1980] =	vst v63  }
0x40: {  	s10 =	rddreg [dreg:$0x7]  }
0x41: {  	[spmem:s1] =	stream.indirect.scatter.add.f32 [tilespmem:s7], [sflag:$0x1], $0x1, s10, s6, $0xb8;
	[tilespmem:$0x1980] =	vst v63  }
0x42: {  	s9 =	rddreg [dreg:$0x8]  }
0x43: {  	[spmem:s1] =	stream.indirect.scatter.add.f32 [tilespmem:s7], [sflag:$0x1], $0x1, s9, s6, $0xb8;
	[tilespmem:$0x1980] =	vst v63  }
0x44: {  	s11 =	rddreg [dreg:$0x9]  }
0x45: {  	[spmem:s1] =	stream.indirect.scatter.add.f32 [tilespmem:s7], [sflag:$0x1], $0x1, s11, s6, $0xb8;
	[tilespmem:$0x1980] =	vst v63  }
0x46: {  	s12 =	rddreg [dreg:$0xa]  }
0x47: {  	[spmem:s1] =	stream.indirect.scatter.add.f32 [tilespmem:s7], [sflag:$0x1], $0x1, s12, s6, $0xb8;
	[tilespmem:$0x1980] =	vst v63  }
0x48: {  	s13 =	rddreg [dreg:$0xb]  }
0x49: {  	[spmem:s1] =	stream.indirect.scatter.add.f32 [tilespmem:s7], [sflag:$0x1], $0x1, s13, s6, $0xb8;
	[tilespmem:$0x1980] =	vst v63  }
0x4a: {  	s8 =	simm.s32 $0x1;
	s14 =	rddreg [dreg:$0xc]  }
0x4b: {  	[spmem:s1] =	stream.indirect.scatter.add.f32 [tilespmem:s7], [sflag:$0x1], $0x1, s14, s6, $0xb8;
	[tilespmem:$0x1980] =	vst v63  }
0x4c: {  	_ =	swait.ge [sflag:s8], $0x80  }
0x4d: {  	[sflag:s8] =	ssyncset.done $0x0  }
0x4e: {  	[sflag:s8] =	ssyncadd.s32 $0xFFFFFF80  }
0x4f: {  	_ =	swait.ge [sflag:s8], $0x80  }
0x50: {  	[sflag:s8] =	ssyncset.done $0x0  }
0x51: {  	[sflag:s8] =	ssyncadd.s32 $0xFFFFFF80  }
0x52: {  	_ =	swait.ge [sflag:s8], $0x80  }
0x53: {  	[sflag:s8] =	ssyncset.done $0x0  }
0x54: {  	[sflag:s8] =	ssyncadd.s32 $0xFFFFFF80  }
0x55: {  	_ =	swait.ge [sflag:s8], $0x80  }
0x56: {  	[sflag:s8] =	ssyncset.done $0x0  }
0x57: {  	[sflag:s8] =	ssyncadd.s32 $0xFFFFFF80  }
0x58: {  	_ =	swait.ge [sflag:s8], $0x80  }
0x59: {  	[sflag:s8] =	ssyncset.done $0x0  }
0x5a: {  	[sflag:s8] =	ssyncadd.s32 $0xFFFFFF80  }
0x5b: {  	_ =	swait.ge [sflag:s8], $0x80  }
0x5c: {  	[sflag:s8] =	ssyncset.done $0x0  }
0x5d: {  	[sflag:s8] =	ssyncadd.s32 $0xFFFFFF80  }
0x5e: {  	_ =	swait.ge [sflag:s8], $0x80  }
0x5f: {  	[sflag:s8] =	ssyncset.done $0x0  }
0x60: {  	[sflag:s8] =	ssyncadd.s32 $0xFFFFFF80  }
0x61: {  	_ =	swait.ge [sflag:s8], $0x80  }
0x62: {  	[sflag:s8] =	ssyncset.done $0x0  }
0x63: {  	s15 =	rddreg [dreg:$0xd];
	[sflag:s8] =	ssyncadd.s32 $0xFFFFFF80  }
0x64: {  	[spmem:s1] =	stream.indirect.scatter.add.f32 [tilespmem:s7], [sflag:$0x1], $0x1, s15, s6, $0xb8;
	[tilespmem:$0x1980] =	vst v63  }
0x65: {  	s10 =	rddreg [dreg:$0xe]  }
0x66: {  	[spmem:s1] =	stream.indirect.scatter.add.f32 [tilespmem:s7], [sflag:$0x1], $0x1, s10, s6, $0xb8;
	[tilespmem:$0x1980] =	vst v63  }
0x67: {  	s16 =	rddreg [dreg:$0xf]  }
0x68: {  	[spmem:s1] =	stream.indirect.scatter.add.f32 [tilespmem:s7], [sflag:$0x1], $0x1, s16, s6, $0xb8;
	[tilespmem:$0x1980] =	vst v63  }
0x69: {  	s17 =	rddreg [dreg:$0x10]  }
0x6a: {  	[spmem:s1] =	stream.indirect.scatter.add.f32 [tilespmem:s7], [sflag:$0x1], $0x1, s17, s6, $0xb8;
	[tilespmem:$0x1980] =	vst v63  }
0x6b: {  	s18 =	rddreg [dreg:$0x11]  }
0x6c: {  	[spmem:s1] =	stream.indirect.scatter.add.f32 [tilespmem:s7], [sflag:$0x1], $0x1, s18, s6, $0xb8;
	[tilespmem:$0x1980] =	vst v63  }
0x6d: {  	s19 =	rddreg [dreg:$0x12]  }
0x6e: {  	[spmem:s1] =	stream.indirect.scatter.add.f32 [tilespmem:s7], [sflag:$0x1], $0x1, s19, s6, $0xb8;
	[tilespmem:$0x1980] =	vst v63  }
0x6f: {  	s20 =	rddreg [dreg:$0x13]  }
0x70: {  	[spmem:s1] =	stream.indirect.scatter.add.f32 [tilespmem:s7], [sflag:$0x1], $0x1, s20, s6, $0xb8;
	[tilespmem:$0x1980] =	vst v63  }
0x71: {  	s21 =	rddreg [dreg:$0x14]  }
0x72: {  	[spmem:s1] =	stream.indirect.scatter.add.f32 [tilespmem:s7], [sflag:$0x1], $0x1, s21, s6, $0xb8;
	[tilespmem:$0x1980] =	vst v63  }
0x73: {  	_ =	swait.ge [sflag:s8], $0x80  }
0x74: {  	[sflag:s8] =	ssyncset.done $0x0  }
0x75: {  	[sflag:s8] =	ssyncadd.s32 $0xFFFFFF80  }
0x76: {  	_ =	swait.ge [sflag:s8], $0x80  }
0x77: {  	[sflag:s8] =	ssyncset.done $0x0  }
0x78: {  	[sflag:s8] =	ssyncadd.s32 $0xFFFFFF80  }
0x79: {  	_ =	swait.ge [sflag:s8], $0x80  }
0x7a: {  	[sflag:s8] =	ssyncset.done $0x0  }
0x7b: {  	[sflag:s8] =	ssyncadd.s32 $0xFFFFFF80  }
0x7c: {  	_ =	swait.ge [sflag:s8], $0x80  }
0x7d: {  	[sflag:s8] =	ssyncset.done $0x0  }
0x7e: {  	[sflag:s8] =	ssyncadd.s32 $0xFFFFFF80  }
0x7f: {  	_ =	swait.ge [sflag:s8], $0x80  }
0x80: {  	[sflag:s8] =	ssyncset.done $0x0  }
0x81: {  	[sflag:s8] =	ssyncadd.s32 $0xFFFFFF80  }
0x82: {  	_ =	swait.ge [sflag:s8], $0x80  }
0x83: {  	[sflag:s8] =	ssyncset.done $0x0  }
0x84: {  	[sflag:s8] =	ssyncadd.s32 $0xFFFFFF80  }
0x85: {  	_ =	swait.ge [sflag:s8], $0x80  }
0x86: {  	[sflag:s8] =	ssyncset.done $0x0  }
0x87: {  	[sflag:s8] =	ssyncadd.s32 $0xFFFFFF80  }
0x88: {  	_ =	swait.ge [sflag:s8], $0x80  }
0x89: {  	[sflag:s8] =	ssyncset.done $0x0  }
0x8a: {  	s22 =	rddreg [dreg:$0x15];
	[sflag:s8] =	ssyncadd.s32 $0xFFFFFF80  }
0x8b: {  	[spmem:s1] =	stream.indirect.scatter.add.f32 [tilespmem:s7], [sflag:$0x1], $0x1, s22, s6, $0xb8;
	[tilespmem:$0x1980] =	vst v63  }
0x8c: {  	s23 =	rddreg [dreg:$0x16]  }
0x8d: {  	[spmem:s1] =	stream.indirect.scatter.add.f32 [tilespmem:s7], [sflag:$0x1], $0x1, s23, s6, $0xb8;
	[tilespmem:$0x1980] =	vst v63  }
0x8e: {  	s24 =	rddreg [dreg:$0x17]  }
0x8f: {  	[spmem:s1] =	stream.indirect.scatter.add.f32 [tilespmem:s7], [sflag:$0x1], $0x1, s24, s6, $0xb8;
	[tilespmem:$0x1980] =	vst v63  }
0x90: {  	s25 =	rddreg [dreg:$0x18]  }
0x91: {  	[spmem:s1] =	stream.indirect.scatter.add.f32 [tilespmem:s7], [sflag:$0x1], $0x1, s25, s6, $0xb8;
	[tilespmem:$0x1980] =	vst v63  }
0x92: {  	s26 =	rddreg [dreg:$0x19]  }
0x93: {  	[spmem:s1] =	stream.indirect.scatter.add.f32 [tilespmem:s7], [sflag:$0x1], $0x1, s26, s6, $0xb8;
	[tilespmem:$0x1980] =	vst v63  }
0x94: {  	s31 =	rddreg [dreg:$0x1a]  }
0x95: {  	[spmem:s1] =	stream.indirect.scatter.add.f32 [tilespmem:s7], [sflag:$0x1], $0x1, s31, s6, $0xb8;
	[tilespmem:$0x1980] =	vst v63  }
0x96: {  	s9 =	simm.s32 $0xB00  }
0x97: {  	[spmem:s1] =	stream.indirect.scatter.add.f32 [tilespmem:s7], [sflag:$0x1], $0x1, s9, s6, $0xb8;
	[tilespmem:$0x1980] =	vst v63  }
0x98: {  	s10 =	simm.s32 $0xB80  }
0x99: {  	[spmem:s1] =	stream.indirect.scatter.add.f32 [tilespmem:s7], [sflag:$0x1], $0x1, s10, s6, $0xb8;
	[tilespmem:$0x1980] =	vst v63  }
0x9a: {  	_ =	swait.ge [sflag:s8], $0x80  }
0x9b: {  	[sflag:s8] =	ssyncset.done $0x0  }
0x9c: {  	[sflag:s8] =	ssyncadd.s32 $0xFFFFFF80  }
0x9d: {  	_ =	swait.ge [sflag:s8], $0x80  }
0x9e: {  	[sflag:s8] =	ssyncset.done $0x0  }
0x9f: {  	[sflag:s8] =	ssyncadd.s32 $0xFFFFFF80  }
0xa0: {  	_ =	swait.ge [sflag:s8], $0x80  }
0xa1: {  	[sflag:s8] =	ssyncset.done $0x0  }
0xa2: {  	[sflag:s8] =	ssyncadd.s32 $0xFFFFFF80  }
0xa3: {  	_ =	swait.ge [sflag:s8], $0x80  }
0xa4: {  	[sflag:s8] =	ssyncset.done $0x0  }
0xa5: {  	[sflag:s8] =	ssyncadd.s32 $0xFFFFFF80  }
0xa6: {  	_ =	swait.ge [sflag:s8], $0x80  }
0xa7: {  	[sflag:s8] =	ssyncset.done $0x0  }
0xa8: {  	[sflag:s8] =	ssyncadd.s32 $0xFFFFFF80  }
0xa9: {  	_ =	swait.ge [sflag:s8], $0x80  }
0xaa: {  	[sflag:s8] =	ssyncset.done $0x0  }
0xab: {  	[sflag:s8] =	ssyncadd.s32 $0xFFFFFF80  }
0xac: {  	_ =	swait.ge [sflag:s8], $0x80  }
0xad: {  	[sflag:s8] =	ssyncset.done $0x0  }
0xae: {  	[sflag:s8] =	ssyncadd.s32 $0xFFFFFF80  }
0xaf: {  	_ =	swait.ge [sflag:s8], $0x80  }
0xb0: {  	[sflag:s8] =	ssyncset.done $0x0  }
0xb1: {  	s11 =	simm.s32 $0xC00;
	[sflag:s8] =	ssyncadd.s32 $0xFFFFFF80  }
0xb2: {  	[spmem:s1] =	stream.indirect.scatter.add.f32 [tilespmem:s7], [sflag:$0x1], $0x1, s11, s6, $0xb8;
	[tilespmem:$0x1980] =	vst v63  }
0xb3: {  	s12 =	simm.s32 $0xC80  }
0xb4: {  	[spmem:s1] =	stream.indirect.scatter.add.f32 [tilespmem:s7], [sflag:$0x1], $0x1, s12, s6, $0xb8;
	[tilespmem:$0x1980] =	vst v63  }
0xb5: {  	s13 =	simm.s32 $0xD00  }
0xb6: {  	[spmem:s1] =	stream.indirect.scatter.add.f32 [tilespmem:s7], [sflag:$0x1], $0x1, s13, s6, $0xb8;
	[tilespmem:$0x1980] =	vst v63  }
0xb7: {  	s14 =	simm.s32 $0xD80  }
0xb8: {  	[spmem:s1] =	stream.indirect.scatter.add.f32 [tilespmem:s7], [sflag:$0x1], $0x1, s14, s6, $0xb8;
	[tilespmem:$0x1980] =	vst v63  }
0xb9: {  	s15 =	simm.s32 $0xE00  }
0xba: {  	[spmem:s1] =	stream.indirect.scatter.add.f32 [tilespmem:s7], [sflag:$0x1], $0x1, s15, s6, $0xb8;
	[tilespmem:$0x1980] =	vst v63  }
0xbb: {  	s16 =	simm.s32 $0xE80  }
0xbc: {  	[spmem:s1] =	stream.indirect.scatter.add.f32 [tilespmem:s7], [sflag:$0x1], $0x1, s16, s6, $0xb8;
	[tilespmem:$0x1980] =	vst v63  }
0xbd: {  	s17 =	simm.s32 $0xF00  }
0xbe: {  	[spmem:s1] =	stream.indirect.scatter.add.f32 [tilespmem:s7], [sflag:$0x1], $0x1, s17, s6, $0xb8;
	[tilespmem:$0x1980] =	vst v63  }
0xbf: {  	s18 =	simm.s32 $0xF80  }
0xc0: {  	[spmem:s1] =	stream.indirect.scatter.add.f32 [tilespmem:s7], [sflag:$0x1], $0x1, s18, s6, $0xb8;
	[tilespmem:$0x1980] =	vst v63  }
0xc1: {  	_ =	swait.ge [sflag:s8], $0x80  }
0xc2: {  	[sflag:s8] =	ssyncset.done $0x0  }
0xc3: {  	[sflag:s8] =	ssyncadd.s32 $0xFFFFFF80  }
0xc4: {  	_ =	swait.ge [sflag:s8], $0x80  }
0xc5: {  	[sflag:s8] =	ssyncset.done $0x0  }
0xc6: {  	[sflag:s8] =	ssyncadd.s32 $0xFFFFFF80  }
0xc7: {  	_ =	swait.ge [sflag:s8], $0x80  }
0xc8: {  	[sflag:s8] =	ssyncset.done $0x0  }
0xc9: {  	[sflag:s8] =	ssyncadd.s32 $0xFFFFFF80  }
0xca: {  	_ =	swait.ge [sflag:s8], $0x80  }
0xcb: {  	[sflag:s8] =	ssyncset.done $0x0  }
0xcc: {  	[sflag:s8] =	ssyncadd.s32 $0xFFFFFF80  }
0xcd: {  	_ =	swait.ge [sflag:s8], $0x80  }
0xce: {  	[sflag:s8] =	ssyncset.done $0x0  }
0xcf: {  	[sflag:s8] =	ssyncadd.s32 $0xFFFFFF80  }
0xd0: {  	_ =	swait.ge [sflag:s8], $0x80  }
0xd1: {  	[sflag:s8] =	ssyncset.done $0x0  }
0xd2: {  	[sflag:s8] =	ssyncadd.s32 $0xFFFFFF80  }
0xd3: {  	_ =	swait.ge [sflag:s8], $0x80  }
0xd4: {  	[sflag:s8] =	ssyncset.done $0x0  }
0xd5: {  	[sflag:s8] =	ssyncadd.s32 $0xFFFFFF80  }
0xd6: {  	_ =	swait.ge [sflag:s8], $0x80  }
0xd7: {  	[sflag:s8] =	ssyncset.done $0x0  }
0xd8: {  	s19 =	simm.s32 $0x1000;
	[sflag:s8] =	ssyncadd.s32 $0xFFFFFF80  }
0xd9: {  	[spmem:s1] =	stream.indirect.scatter.add.f32 [tilespmem:s7], [sflag:$0x1], $0x1, s19, s6, $0xb8;
	[tilespmem:$0x1980] =	vst v63  }
0xda: {  	s20 =	simm.s32 $0x1080  }
0xdb: {  	[spmem:s1] =	stream.indirect.scatter.add.f32 [tilespmem:s7], [sflag:$0x1], $0x1, s20, s6, $0xb8;
	[tilespmem:$0x1980] =	vst v63  }
0xdc: {  	s21 =	simm.s32 $0x1100  }
0xdd: {  	[spmem:s1] =	stream.indirect.scatter.add.f32 [tilespmem:s7], [sflag:$0x1], $0x1, s21, s6, $0xb8;
	[tilespmem:$0x1980] =	vst v63  }
0xde: {  	s22 =	simm.s32 $0x1180  }
0xdf: {  	[spmem:s1] =	stream.indirect.scatter.add.f32 [tilespmem:s7], [sflag:$0x1], $0x1, s22, s6, $0xb8;
	[tilespmem:$0x1980] =	vst v63  }
0xe0: {  	s23 =	simm.s32 $0x1200  }
0xe1: {  	[spmem:s1] =	stream.indirect.scatter.add.f32 [tilespmem:s7], [sflag:$0x1], $0x1, s23, s6, $0xb8;
	[tilespmem:$0x1980] =	vst v63  }
0xe2: {  	s24 =	simm.s32 $0x1280  }
0xe3: {  	[spmem:s1] =	stream.indirect.scatter.add.f32 [tilespmem:s7], [sflag:$0x1], $0x1, s24, s6, $0xb8;
	[tilespmem:$0x1980] =	vst v63  }
0xe4: {  	s25 =	simm.s32 $0x1300  }
0xe5: {  	[spmem:s1] =	stream.indirect.scatter.add.f32 [tilespmem:s7], [sflag:$0x1], $0x1, s25, s6, $0xb8;
	[tilespmem:$0x1980] =	vst v63  }
0xe6: {  	s26 =	simm.s32 $0x1380  }
0xe7: {  	[spmem:s1] =	stream.indirect.scatter.add.f32 [tilespmem:s7], [sflag:$0x1], $0x1, s26, s6, $0xb8;
	[tilespmem:$0x1980] =	vst v63  }
0xe8: {  	_ =	swait.ge [sflag:s8], $0x80  }
0xe9: {  	[sflag:s8] =	ssyncset.done $0x0  }
0xea: {  	[sflag:s8] =	ssyncadd.s32 $0xFFFFFF80  }
0xeb: {  	_ =	swait.ge [sflag:s8], $0x80  }
0xec: {  	[sflag:s8] =	ssyncset.done $0x0  }
0xed: {  	[sflag:s8] =	ssyncadd.s32 $0xFFFFFF80  }
0xee: {  	_ =	swait.ge [sflag:s8], $0x80  }
0xef: {  	[sflag:s8] =	ssyncset.done $0x0  }
0xf0: {  	[sflag:s8] =	ssyncadd.s32 $0xFFFFFF80  }
0xf1: {  	_ =	swait.ge [sflag:s8], $0x80  }
0xf2: {  	[sflag:s8] =	ssyncset.done $0x0  }
0xf3: {  	[sflag:s8] =	ssyncadd.s32 $0xFFFFFF80  }
0xf4: {  	_ =	swait.ge [sflag:s8], $0x80  }
0xf5: {  	[sflag:s8] =	ssyncset.done $0x0  }
0xf6: {  	[sflag:s8] =	ssyncadd.s32 $0xFFFFFF80  }
0xf7: {  	_ =	swait.ge [sflag:s8], $0x80  }
0xf8: {  	[sflag:s8] =	ssyncset.done $0x0  }
0xf9: {  	[sflag:s8] =	ssyncadd.s32 $0xFFFFFF80  }
0xfa: {  	_ =	swait.ge [sflag:s8], $0x80  }
0xfb: {  	s28 =	ssub.s32 $0x2, s28;
	[sflag:s8] =	ssyncset.done $0x0  }
0xfc: {  	s29 =	sshrl.u32 s28, $0x1;
	[sflag:s8] =	ssyncadd.s32 $0xFFFFFF80  }
0xfd: {  	s0 =	ssub.s32 s28, s29;
	_ =	swait.ge [sflag:s8], $0x80  }
0xfe: {  	s0 =	smax.u32 s0, $0x1;
	[sflag:s8] =	ssyncset.done $0x0  }
0xff: {  	p0 =	sne.s32 s0, $0x1;
	[sflag:s8] =	ssyncadd.s32 $0xFFFFFF80  }
.Ltmp0:
0x100: {  	s31 =	sshll.u32 s3, $0x6;
	[bflag:$0x0] =	sbarrier.arrive $0xFFFF;
	(pc) =	sbr.rel @!p0 .LBB2_2-.Ltmp0, $4  }
0x101: {  	s29 =	sshrl.u32 s5, $0x3;
	s28 =	sor.u32 $0x1C02, s31;
	s30 =	rddreg [dreg:$0x5]  }
0x102: {  	[hbm:s30], [sflag:s28] =	dma.local [spmem:s29], $0x50  }
0x103: {  	_ =	swait.ge [sflag:s4], $0x50  }
0x104: {  	s30 =	sadd.s32 $0xFFFFFFFF, s0;
	[sflag:s4] =	ssyncset.done $0x0  }
.LBB2_1:
0x105: {  	[sflag:s4] =	ssyncadd.s32 $0xFFFFFFB0  }
0x106: {  	[tilespmem:$0x1400] =	vst v0  }
0x107: {  	[tilespmem:$0x16F0] =	vst v1  }
0x108: {  	[tilespmem:$0x16E0] =	vst v1  }
0x109: {  	[tilespmem:$0x16D0] =	vst v1  }
0x10a: {  	[tilespmem:$0x16C0] =	vst v1  }
0x10b: {  	[tilespmem:$0x16B0] =	vst v1  }
0x10c: {  	[tilespmem:$0x16A0] =	vst v1  }
0x10d: {  	[tilespmem:$0x1690] =	vst v1  }
0x10e: {  	[tilespmem:$0x1680] =	vst v1  }
0x10f: {  	[tilespmem:$0x1670] =	vst v1  }
0x110: {  	[tilespmem:$0x1660] =	vst v1  }
0x111: {  	[tilespmem:$0x1650] =	vst v1  }
0x112: {  	[tilespmem:$0x1640] =	vst v1  }
0x113: {  	[tilespmem:$0x1630] =	vst v1  }
0x114: {  	[tilespmem:$0x1620] =	vst v1  }
0x115: {  	[tilespmem:$0x1610] =	vst v1  }
0x116: {  	[tilespmem:$0x1600] =	vst v1  }
0x117: {  	[tilespmem:$0x15F0] =	vst v1  }
0x118: {  	[tilespmem:$0x15E0] =	vst v1  }
0x119: {  	[tilespmem:$0x15D0] =	vst v1  }
0x11a: {  	[tilespmem:$0x15C0] =	vst v1  }
0x11b: {  	[tilespmem:$0x15B0] =	vst v1  }
0x11c: {  	[tilespmem:$0x15A0] =	vst v1  }
0x11d: {  	[tilespmem:$0x1590] =	vst v1  }
0x11e: {  	[tilespmem:$0x1580] =	vst v1  }
0x11f: {  	[tilespmem:$0x1570] =	vst v1  }
0x120: {  	[tilespmem:$0x1560] =	vst v1  }
0x121: {  	[tilespmem:$0x1550] =	vst v1  }
0x122: {  	[tilespmem:$0x1540] =	vst v1  }
0x123: {  	[tilespmem:$0x1530] =	vst v1  }
0x124: {  	[tilespmem:$0x1520] =	vst v1  }
0x125: {  	[tilespmem:$0x1510] =	vst v1  }
0x126: {  	[tilespmem:$0x1500] =	vst v1  }
0x127: {  	[tilespmem:$0x14F0] =	vst v1  }
0x128: {  	[tilespmem:$0x14E0] =	vst v1  }
0x129: {  	[tilespmem:$0x14D0] =	vst v1  }
0x12a: {  	[tilespmem:$0x14C0] =	vst v1  }
0x12b: {  	[tilespmem:$0x14B0] =	vst v1  }
0x12c: {  	[tilespmem:$0x14A0] =	vst v1  }
0x12d: {  	[tilespmem:$0x1490] =	vst v1  }
0x12e: {  	[tilespmem:$0x1480] =	vst v1  }
0x12f: {  	[tilespmem:$0x1470] =	vst v0  }
0x130: {  	[tilespmem:$0x1460] =	vst v0  }
0x131: {  	[tilespmem:$0x1450] =	vst v0  }
0x132: {  	[tilespmem:$0x1440] =	vst v0  }
0x133: {  	[tilespmem:$0x1430] =	vst v0  }
0x134: {  	[tilespmem:$0x1420] =	vst v0  }
0x135: {  	s0 =	rddreg [dreg:$0x4];
	[tilespmem:$0x1410] =	vst v0  }
0x136: {  	[tilespmem:s2], [sflag:$0x2] =	stream.linear.gather [hbm4b:s0+s2], $0x1400, $0x38;
	[tilespmem:$0x1980] =	vst v63  }
0x137: {  	_ =	swait.ge [sflag:s4], $0x1400  }
0x138: {  	[sflag:s4] =	ssyncset.done $0x0  }
0x139: {  	s31 =	rddreg [dreg:$0x6];
	[sflag:s4] =	ssyncadd.s32 $0xFFFFEC00  }
0x13a: {  	[spmem:s5] =	stream.linear.scatter [tilespmem:s31], [sflag:$0x2], $0x280, $0x38;
	[tilespmem:$0x1980] =	vst v63  }
0x13b: {  	_ =	swait.ge [sflag:s4], $0x280  }
0x13c: {  	[sflag:s4] =	ssyncset.done $0x0  }
0x13d: {  	[sflag:s4] =	ssyncadd.s32 $0xFFFFFD80  }
0x13e: {  	[bflag:$0x0] =	sbarrier.arrive $0xFFFF  }
0x13f: {  	[spmem:s1] =	stream.indirect.scatter.add.f32 [tilespmem:s7], [sflag:$0x1], $0x1, s2, s6, $0xb8;
	[tilespmem:$0x1980] =	vst v63  }
0x140: {  	_ = 	snop  }
0x141: {  	[spmem:s1] =	stream.indirect.scatter.add.f32 [tilespmem:s7], [sflag:$0x1], $0x1, s6, s6, $0xb8;
	[tilespmem:$0x1980] =	vst v63  }
0x142: {  	s0 =	rddreg [dreg:$0x7]  }
0x143: {  	[spmem:s1] =	stream.indirect.scatter.add.f32 [tilespmem:s7], [sflag:$0x1], $0x1, s0, s6, $0xb8;
	[tilespmem:$0x1980] =	vst v63  }
0x144: {  	s31 =	rddreg [dreg:$0x8]  }
0x145: {  	[spmem:s1] =	stream.indirect.scatter.add.f32 [tilespmem:s7], [sflag:$0x1], $0x1, s31, s6, $0xb8;
	[tilespmem:$0x1980] =	vst v63  }
0x146: {  	s0 =	rddreg [dreg:$0x9]  }
0x147: {  	[spmem:s1] =	stream.indirect.scatter.add.f32 [tilespmem:s7], [sflag:$0x1], $0x1, s0, s6, $0xb8;
	[tilespmem:$0x1980] =	vst v63  }
0x148: {  	s31 =	rddreg [dreg:$0xa]  }
0x149: {  	[spmem:s1] =	stream.indirect.scatter.add.f32 [tilespmem:s7], [sflag:$0x1], $0x1, s31, s6, $0xb8;
	[tilespmem:$0x1980] =	vst v63  }
0x14a: {  	s0 =	rddreg [dreg:$0xb]  }
0x14b: {  	[spmem:s1] =	stream.indirect.scatter.add.f32 [tilespmem:s7], [sflag:$0x1], $0x1, s0, s6, $0xb8;
	[tilespmem:$0x1980] =	vst v63  }
0x14c: {  	s31 =	rddreg [dreg:$0xc]  }
0x14d: {  	[spmem:s1] =	stream.indirect.scatter.add.f32 [tilespmem:s7], [sflag:$0x1], $0x1, s31, s6, $0xb8;
	[tilespmem:$0x1980] =	vst v63  }
0x14e: {  	_ =	swait.ge [sflag:s8], $0x80  }
0x14f: {  	[sflag:s8] =	ssyncset.done $0x0  }
0x150: {  	[sflag:s8] =	ssyncadd.s32 $0xFFFFFF80  }
0x151: {  	_ =	swait.ge [sflag:s8], $0x80  }
0x152: {  	[sflag:s8] =	ssyncset.done $0x0  }
0x153: {  	[sflag:s8] =	ssyncadd.s32 $0xFFFFFF80  }
0x154: {  	_ =	swait.ge [sflag:s8], $0x80  }
0x155: {  	[sflag:s8] =	ssyncset.done $0x0  }
0x156: {  	[sflag:s8] =	ssyncadd.s32 $0xFFFFFF80  }
0x157: {  	_ =	swait.ge [sflag:s8], $0x80  }
0x158: {  	[sflag:s8] =	ssyncset.done $0x0  }
0x159: {  	[sflag:s8] =	ssyncadd.s32 $0xFFFFFF80  }
0x15a: {  	_ =	swait.ge [sflag:s8], $0x80  }
0x15b: {  	[sflag:s8] =	ssyncset.done $0x0  }
0x15c: {  	[sflag:s8] =	ssyncadd.s32 $0xFFFFFF80  }
0x15d: {  	_ =	swait.ge [sflag:s8], $0x80  }
0x15e: {  	[sflag:s8] =	ssyncset.done $0x0  }
0x15f: {  	[sflag:s8] =	ssyncadd.s32 $0xFFFFFF80  }
0x160: {  	_ =	swait.ge [sflag:s8], $0x80  }
0x161: {  	[sflag:s8] =	ssyncset.done $0x0  }
0x162: {  	[sflag:s8] =	ssyncadd.s32 $0xFFFFFF80  }
0x163: {  	_ =	swait.ge [sflag:s8], $0x80  }
0x164: {  	[sflag:s8] =	ssyncset.done $0x0  }
0x165: {  	s0 =	rddreg [dreg:$0xd];
	[sflag:s8] =	ssyncadd.s32 $0xFFFFFF80  }
0x166: {  	[spmem:s1] =	stream.indirect.scatter.add.f32 [tilespmem:s7], [sflag:$0x1], $0x1, s0, s6, $0xb8;
	[tilespmem:$0x1980] =	vst v63  }
0x167: {  	s31 =	rddreg [dreg:$0xe]  }
0x168: {  	[spmem:s1] =	stream.indirect.scatter.add.f32 [tilespmem:s7], [sflag:$0x1], $0x1, s31, s6, $0xb8;
	[tilespmem:$0x1980] =	vst v63  }
0x169: {  	s0 =	rddreg [dreg:$0xf]  }
0x16a: {  	[spmem:s1] =	stream.indirect.scatter.add.f32 [tilespmem:s7], [sflag:$0x1], $0x1, s0, s6, $0xb8;
	[tilespmem:$0x1980] =	vst v63  }
0x16b: {  	s31 =	rddreg [dreg:$0x10]  }
0x16c: {  	[spmem:s1] =	stream.indirect.scatter.add.f32 [tilespmem:s7], [sflag:$0x1], $0x1, s31, s6, $0xb8;
	[tilespmem:$0x1980] =	vst v63  }
0x16d: {  	s0 =	rddreg [dreg:$0x11]  }
0x16e: {  	[spmem:s1] =	stream.indirect.scatter.add.f32 [tilespmem:s7], [sflag:$0x1], $0x1, s0, s6, $0xb8;
	[tilespmem:$0x1980] =	vst v63  }
0x16f: {  	s31 =	rddreg [dreg:$0x12]  }
0x170: {  	[spmem:s1] =	stream.indirect.scatter.add.f32 [tilespmem:s7], [sflag:$0x1], $0x1, s31, s6, $0xb8;
	[tilespmem:$0x1980] =	vst v63  }
0x171: {  	s0 =	rddreg [dreg:$0x13]  }
0x172: {  	[spmem:s1] =	stream.indirect.scatter.add.f32 [tilespmem:s7], [sflag:$0x1], $0x1, s0, s6, $0xb8;
	[tilespmem:$0x1980] =	vst v63  }
0x173: {  	s31 =	rddreg [dreg:$0x14]  }
0x174: {  	[spmem:s1] =	stream.indirect.scatter.add.f32 [tilespmem:s7], [sflag:$0x1], $0x1, s31, s6, $0xb8;
	[tilespmem:$0x1980] =	vst v63  }
0x175: {  	_ =	swait.ge [sflag:s8], $0x80  }
0x176: {  	[sflag:s8] =	ssyncset.done $0x0  }
0x177: {  	[sflag:s8] =	ssyncadd.s32 $0xFFFFFF80  }
0x178: {  	_ =	swait.ge [sflag:s8], $0x80  }
0x179: {  	[sflag:s8] =	ssyncset.done $0x0  }
0x17a: {  	[sflag:s8] =	ssyncadd.s32 $0xFFFFFF80  }
0x17b: {  	_ =	swait.ge [sflag:s8], $0x80  }
0x17c: {  	[sflag:s8] =	ssyncset.done $0x0  }
0x17d: {  	[sflag:s8] =	ssyncadd.s32 $0xFFFFFF80  }
0x17e: {  	_ =	swait.ge [sflag:s8], $0x80  }
0x17f: {  	[sflag:s8] =	ssyncset.done $0x0  }
0x180: {  	[sflag:s8] =	ssyncadd.s32 $0xFFFFFF80  }
0x181: {  	_ =	swait.ge [sflag:s8], $0x80  }
0x182: {  	[sflag:s8] =	ssyncset.done $0x0  }
0x183: {  	[sflag:s8] =	ssyncadd.s32 $0xFFFFFF80  }
0x184: {  	_ =	swait.ge [sflag:s8], $0x80  }
0x185: {  	[sflag:s8] =	ssyncset.done $0x0  }
0x186: {  	[sflag:s8] =	ssyncadd.s32 $0xFFFFFF80  }
0x187: {  	_ =	swait.ge [sflag:s8], $0x80  }
0x188: {  	[sflag:s8] =	ssyncset.done $0x0  }
0x189: {  	[sflag:s8] =	ssyncadd.s32 $0xFFFFFF80  }
0x18a: {  	_ =	swait.ge [sflag:s8], $0x80  }
0x18b: {  	[sflag:s8] =	ssyncset.done $0x0  }
0x18c: {  	s0 =	rddreg [dreg:$0x15];
	[sflag:s8] =	ssyncadd.s32 $0xFFFFFF80  }
0x18d: {  	[spmem:s1] =	stream.indirect.scatter.add.f32 [tilespmem:s7], [sflag:$0x1], $0x1, s0, s6, $0xb8;
	[tilespmem:$0x1980] =	vst v63  }
0x18e: {  	s31 =	rddreg [dreg:$0x16]  }
0x18f: {  	[spmem:s1] =	stream.indirect.scatter.add.f32 [tilespmem:s7], [sflag:$0x1], $0x1, s31, s6, $0xb8;
	[tilespmem:$0x1980] =	vst v63  }
0x190: {  	s0 =	rddreg [dreg:$0x17]  }
0x191: {  	[spmem:s1] =	stream.indirect.scatter.add.f32 [tilespmem:s7], [sflag:$0x1], $0x1, s0, s6, $0xb8;
	[tilespmem:$0x1980] =	vst v63  }
0x192: {  	s31 =	rddreg [dreg:$0x18]  }
0x193: {  	[spmem:s1] =	stream.indirect.scatter.add.f32 [tilespmem:s7], [sflag:$0x1], $0x1, s31, s6, $0xb8;
	[tilespmem:$0x1980] =	vst v63  }
0x194: {  	s0 =	rddreg [dreg:$0x19]  }
0x195: {  	[spmem:s1] =	stream.indirect.scatter.add.f32 [tilespmem:s7], [sflag:$0x1], $0x1, s0, s6, $0xb8;
	[tilespmem:$0x1980] =	vst v63  }
0x196: {  	s31 =	rddreg [dreg:$0x1a]  }
0x197: {  	[spmem:s1] =	stream.indirect.scatter.add.f32 [tilespmem:s7], [sflag:$0x1], $0x1, s31, s6, $0xb8;
	[tilespmem:$0x1980] =	vst v63  }
0x198: {  	_ = 	snop  }
0x199: {  	[spmem:s1] =	stream.indirect.scatter.add.f32 [tilespmem:s7], [sflag:$0x1], $0x1, s9, s6, $0xb8;
	[tilespmem:$0x1980] =	vst v63  }
0x19a: {  	_ = 	snop  }
0x19b: {  	[spmem:s1] =	stream.indirect.scatter.add.f32 [tilespmem:s7], [sflag:$0x1], $0x1, s10, s6, $0xb8;
	[tilespmem:$0x1980] =	vst v63  }
0x19c: {  	_ =	swait.ge [sflag:s8], $0x80  }
0x19d: {  	[sflag:s8] =	ssyncset.done $0x0  }
0x19e: {  	[sflag:s8] =	ssyncadd.s32 $0xFFFFFF80  }
0x19f: {  	_ =	swait.ge [sflag:s8], $0x80  }
0x1a0: {  	[sflag:s8] =	ssyncset.done $0x0  }
0x1a1: {  	[sflag:s8] =	ssyncadd.s32 $0xFFFFFF80  }
0x1a2: {  	_ =	swait.ge [sflag:s8], $0x80  }
0x1a3: {  	[sflag:s8] =	ssyncset.done $0x0  }
0x1a4: {  	[sflag:s8] =	ssyncadd.s32 $0xFFFFFF80  }
0x1a5: {  	_ =	swait.ge [sflag:s8], $0x80  }
0x1a6: {  	[sflag:s8] =	ssyncset.done $0x0  }
0x1a7: {  	[sflag:s8] =	ssyncadd.s32 $0xFFFFFF80  }
0x1a8: {  	_ =	swait.ge [sflag:s8], $0x80  }
0x1a9: {  	[sflag:s8] =	ssyncset.done $0x0  }
0x1aa: {  	[sflag:s8] =	ssyncadd.s32 $0xFFFFFF80  }
0x1ab: {  	_ =	swait.ge [sflag:s8], $0x80  }
0x1ac: {  	[sflag:s8] =	ssyncset.done $0x0  }
0x1ad: {  	[sflag:s8] =	ssyncadd.s32 $0xFFFFFF80  }
0x1ae: {  	_ =	swait.ge [sflag:s8], $0x80  }
0x1af: {  	[sflag:s8] =	ssyncset.done $0x0  }
0x1b0: {  	[sflag:s8] =	ssyncadd.s32 $0xFFFFFF80  }
0x1b1: {  	_ =	swait.ge [sflag:s8], $0x80  }
0x1b2: {  	[sflag:s8] =	ssyncset.done $0x0  }
0x1b3: {  	[sflag:s8] =	ssyncadd.s32 $0xFFFFFF80  }
0x1b4: {  	[spmem:s1] =	stream.indirect.scatter.add.f32 [tilespmem:s7], [sflag:$0x1], $0x1, s11, s6, $0xb8;
	[tilespmem:$0x1980] =	vst v63  }
0x1b5: {  	_ = 	snop  }
0x1b6: {  	[spmem:s1] =	stream.indirect.scatter.add.f32 [tilespmem:s7], [sflag:$0x1], $0x1, s12, s6, $0xb8;
	[tilespmem:$0x1980] =	vst v63  }
0x1b7: {  	_ = 	snop  }
0x1b8: {  	[spmem:s1] =	stream.indirect.scatter.add.f32 [tilespmem:s7], [sflag:$0x1], $0x1, s13, s6, $0xb8;
	[tilespmem:$0x1980] =	vst v63  }
0x1b9: {  	_ = 	snop  }
0x1ba: {  	[spmem:s1] =	stream.indirect.scatter.add.f32 [tilespmem:s7], [sflag:$0x1], $0x1, s14, s6, $0xb8;
	[tilespmem:$0x1980] =	vst v63  }
0x1bb: {  	_ = 	snop  }
0x1bc: {  	[spmem:s1] =	stream.indirect.scatter.add.f32 [tilespmem:s7], [sflag:$0x1], $0x1, s15, s6, $0xb8;
	[tilespmem:$0x1980] =	vst v63  }
0x1bd: {  	_ = 	snop  }
0x1be: {  	[spmem:s1] =	stream.indirect.scatter.add.f32 [tilespmem:s7], [sflag:$0x1], $0x1, s16, s6, $0xb8;
	[tilespmem:$0x1980] =	vst v63  }
0x1bf: {  	_ = 	snop  }
0x1c0: {  	[spmem:s1] =	stream.indirect.scatter.add.f32 [tilespmem:s7], [sflag:$0x1], $0x1, s17, s6, $0xb8;
	[tilespmem:$0x1980] =	vst v63  }
0x1c1: {  	_ = 	snop  }
0x1c2: {  	[spmem:s1] =	stream.indirect.scatter.add.f32 [tilespmem:s7], [sflag:$0x1], $0x1, s18, s6, $0xb8;
	[tilespmem:$0x1980] =	vst v63  }
0x1c3: {  	_ =	swait.ge [sflag:s8], $0x80  }
0x1c4: {  	[sflag:s8] =	ssyncset.done $0x0  }
0x1c5: {  	[sflag:s8] =	ssyncadd.s32 $0xFFFFFF80  }
0x1c6: {  	_ =	swait.ge [sflag:s8], $0x80  }
0x1c7: {  	[sflag:s8] =	ssyncset.done $0x0  }
0x1c8: {  	[sflag:s8] =	ssyncadd.s32 $0xFFFFFF80  }
0x1c9: {  	_ =	swait.ge [sflag:s8], $0x80  }
0x1ca: {  	[sflag:s8] =	ssyncset.done $0x0  }
0x1cb: {  	[sflag:s8] =	ssyncadd.s32 $0xFFFFFF80  }
0x1cc: {  	_ =	swait.ge [sflag:s8], $0x80  }
0x1cd: {  	[sflag:s8] =	ssyncset.done $0x0  }
0x1ce: {  	[sflag:s8] =	ssyncadd.s32 $0xFFFFFF80  }
0x1cf: {  	_ =	swait.ge [sflag:s8], $0x80  }
0x1d0: {  	[sflag:s8] =	ssyncset.done $0x0  }
0x1d1: {  	[sflag:s8] =	ssyncadd.s32 $0xFFFFFF80  }
0x1d2: {  	_ =	swait.ge [sflag:s8], $0x80  }
0x1d3: {  	[sflag:s8] =	ssyncset.done $0x0  }
0x1d4: {  	[sflag:s8] =	ssyncadd.s32 $0xFFFFFF80  }
0x1d5: {  	_ =	swait.ge [sflag:s8], $0x80  }
0x1d6: {  	[sflag:s8] =	ssyncset.done $0x0  }
0x1d7: {  	[sflag:s8] =	ssyncadd.s32 $0xFFFFFF80  }
0x1d8: {  	_ =	swait.ge [sflag:s8], $0x80  }
0x1d9: {  	[sflag:s8] =	ssyncset.done $0x0  }
0x1da: {  	[sflag:s8] =	ssyncadd.s32 $0xFFFFFF80  }
0x1db: {  	[spmem:s1] =	stream.indirect.scatter.add.f32 [tilespmem:s7], [sflag:$0x1], $0x1, s19, s6, $0xb8;
	[tilespmem:$0x1980] =	vst v63  }
0x1dc: {  	_ = 	snop  }
0x1dd: {  	[spmem:s1] =	stream.indirect.scatter.add.f32 [tilespmem:s7], [sflag:$0x1], $0x1, s20, s6, $0xb8;
	[tilespmem:$0x1980] =	vst v63  }
0x1de: {  	_ = 	snop  }
0x1df: {  	[spmem:s1] =	stream.indirect.scatter.add.f32 [tilespmem:s7], [sflag:$0x1], $0x1, s21, s6, $0xb8;
	[tilespmem:$0x1980] =	vst v63  }
0x1e0: {  	_ = 	snop  }
0x1e1: {  	[spmem:s1] =	stream.indirect.scatter.add.f32 [tilespmem:s7], [sflag:$0x1], $0x1, s22, s6, $0xb8;
	[tilespmem:$0x1980] =	vst v63  }
0x1e2: {  	_ = 	snop  }
0x1e3: {  	[spmem:s1] =	stream.indirect.scatter.add.f32 [tilespmem:s7], [sflag:$0x1], $0x1, s23, s6, $0xb8;
	[tilespmem:$0x1980] =	vst v63  }
0x1e4: {  	_ = 	snop  }
0x1e5: {  	[spmem:s1] =	stream.indirect.scatter.add.f32 [tilespmem:s7], [sflag:$0x1], $0x1, s24, s6, $0xb8;
	[tilespmem:$0x1980] =	vst v63  }
0x1e6: {  	_ = 	snop  }
0x1e7: {  	[spmem:s1] =	stream.indirect.scatter.add.f32 [tilespmem:s7], [sflag:$0x1], $0x1, s25, s6, $0xb8;
	[tilespmem:$0x1980] =	vst v63  }
0x1e8: {  	_ = 	snop  }
0x1e9: {  	[spmem:s1] =	stream.indirect.scatter.add.f32 [tilespmem:s7], [sflag:$0x1], $0x1, s26, s6, $0xb8;
	[tilespmem:$0x1980] =	vst v63  }
0x1ea: {  	_ =	swait.ge [sflag:s8], $0x80  }
0x1eb: {  	[sflag:s8] =	ssyncset.done $0x0  }
0x1ec: {  	[sflag:s8] =	ssyncadd.s32 $0xFFFFFF80  }
0x1ed: {  	_ =	swait.ge [sflag:s8], $0x80  }
0x1ee: {  	[sflag:s8] =	ssyncset.done $0x0  }
0x1ef: {  	[sflag:s8] =	ssyncadd.s32 $0xFFFFFF80  }
0x1f0: {  	_ =	swait.ge [sflag:s8], $0x80  }
0x1f1: {  	[sflag:s8] =	ssyncset.done $0x0  }
0x1f2: {  	[sflag:s8] =	ssyncadd.s32 $0xFFFFFF80  }
0x1f3: {  	_ =	swait.ge [sflag:s8], $0x80  }
0x1f4: {  	[sflag:s8] =	ssyncset.done $0x0  }
0x1f5: {  	[sflag:s8] =	ssyncadd.s32 $0xFFFFFF80  }
0x1f6: {  	_ =	swait.ge [sflag:s8], $0x80  }
0x1f7: {  	[sflag:s8] =	ssyncset.done $0x0  }
0x1f8: {  	[sflag:s8] =	ssyncadd.s32 $0xFFFFFF80  }
0x1f9: {  	_ =	swait.ge [sflag:s8], $0x80  }
0x1fa: {  	[sflag:s8] =	ssyncset.done $0x0  }
0x1fb: {  	[sflag:s8] =	ssyncadd.s32 $0xFFFFFF80  }
0x1fc: {  	_ =	swait.ge [sflag:s8], $0x80  }
0x1fd: {  	[sflag:s8] =	ssyncset.done $0x0  }
0x1fe: {  	[sflag:s8] =	ssyncadd.s32 $0xFFFFFF80  }
0x1ff: {  	_ =	swait.ge [sflag:s8], $0x80  }
0x200: {  	[sflag:s8] =	ssyncset.done $0x0  }
0x201: {  	p0 =	sne.s32 s30, $0x1;
	[sflag:s8] =	ssyncadd.s32 $0xFFFFFF80  }
.Ltmp1:
0x202: {  	[bflag:$0x0] =	sbarrier.arrive $0xFFFF;
	(pc) =	sbr.rel @p0 .LBB2_1-.Ltmp1, $4  }
0x203: {  	s31 =	rddreg [dreg:$0x5]  }
0x204: {  	[hbm:s31], [sflag:s28] =	dma.local [spmem:s29], $0x50  }
0x205: {  	_ =	swait.ge [sflag:s4], $0x50  }
0x206: {  	s30 =	sadd.s32 $0xFFFFFFFF, s30;
	[sflag:s4] =	ssyncset.done $0x0  }
.LBB2_2:
0x207: {  	[sflag:s4] =	ssyncadd.s32 $0xFFFFFFB0  }
0x208: {  	_ =	sfence.sel $0x180000  }
0x209: {  	[bflag:$0x0] =	sbarrier.arrive $0xFFFF  }
0x20a: {  	_ =	strace $0x90000047  }
0x20b: {  	[bflag:$0x2] =	sbarrier.arrive $0xFFFF  }
0x20c: {  	p0 =	sne.s32 s3, $0x0;
	s0 =	rddreg [dreg:$0x3]  }
0x20d: {  	s0 =	sadd.s32 @!p0 $0x100000, s0  }
0x20e: {  	[sflag:s0] =	ssyncadd.tile.s32 @!p0 $0x1;
	_ =	shalt  }
.Lfunc_end2:
_tile_overlayer_lowered:
.L_overlay_start_2:
0x20f: {  	(tag) =	ssettag $0x2  }
0x210: {  	s0 =	rddreg [dreg:$0x0];
	s2 =	stileid.u32  }
0x211: {  	s1 =	rddreg [dreg:$0x1];
	p0 =	sne.s32 s2, $0x0  }
0x212: {  	s3 =	rddreg [dreg:$0x2];
	[bflag:$0x3] =	sbarrier.arrive $0xFFFF;
	s2 =	simm.s32 @!p0 $0x1C02  }
0x213: {  	[timem:s3], [sflag:s2] =	dma.local @!p0 [hbm:s0], s1  }
0x214: {  	s0 =	simm.s32 @!p0 $0x2  }
0x215: {  	_ =	swait.ge @!p0 [sflag:s0], s1  }
0x216: {  	s1 =	ssub.s32 @!p0 $0x0, s1;
	[sflag:s0] =	ssyncset.done @!p0 $0x0  }
0x217: {  	[sflag:s0] =	ssyncadd.s32 @!p0 s1  }
0x218: {  	[bflag:$0x3] =	sbarrier.arrive $0xFFFF  }
0x219: {  	_ =	shalt  }

</sc_bundles>
